<compile_context>
chip_gen: v7x
topology: tpu7x:2x2x1
jax: 0.10.2.dev20260603
libtpu: 0.0.44.dev20260713+nightly
codegen_flags: <defaults>
</compile_context>

<pallas_src>
import jax
import jax.numpy as jnp
from jax import lax
from jax.experimental import pallas as pl
from jax.experimental.pallas import tpu as pltpu
from jax.experimental.pallas import tpu_sc as plsc

BATCH = 1024
SEQ = 200
D = 128
NC = 2
NS = 16
NW = NC * NS
SEQ_PER_W = BATCH // NW
IDX_PER_W = SEQ_PER_W * SEQ
L0 = 104
L1 = SEQ - L0
NBLK = 2 * SEQ_PER_W
NBUF = 6
STAG = 4


def _body(x_hbm, tok_hbm, pos_hbm, out_hbm, idx_v, rows, psh, sstage, sems):
    sid = lax.axis_index("s")
    wid = sid * NC + lax.axis_index("c")
    ibase = pl.multiple_of(wid * IDX_PER_W, 8)
    pltpu.sync_copy(x_hbm.at[pl.ds(ibase, IDX_PER_W)], idx_v)
    @pl.when(sid == 0)
    def _stage():
        pltpu.sync_copy(pos_hbm.at[pl.ds(0, L0)], rows[0].at[pl.ds(0, L0)])
        pltpu.sync_copy(rows[0].at[pl.ds(0, L0)], psh.at[pl.ds(0, L0)])
        pltpu.sync_copy(pos_hbm.at[pl.ds(L0, L1)], rows[1].at[pl.ds(0, L1)])
        pltpu.sync_copy(rows[1].at[pl.ds(0, L1)], psh.at[pl.ds(L0, L1)])
    plsc.subcore_barrier()

    psem, gsem, csem, ssem = sems

    def slot_ref(s, ln):
        return sstage.at[pl.ds(pl.multiple_of((sid * 3 + s) * L0, 8), ln)]

    def blk(k, b):
        ln = L0 if b % 2 == 0 else L1
        hoff = 0 if b % 2 == 0 else L0
        off = pl.multiple_of((k // 2) * SEQ + hoff, 8)
        return off, hoff, ln

    def gather_desc(k, b):
        off, _, ln = blk(k, b)
        return (tok_hbm.at[idx_v.at[pl.ds(off, ln)]],
                rows[b].at[pl.ds(0, ln)], gsem[b])

    def step(k, b):
        @pl.when(jnp.logical_and(k - STAG >= 0, k - STAG < NBLK))
        def _finish():
            j = k - STAG
            jb = (b + 2) % NBUF
            s1 = (b + 2) % 3
            _, _, jln = blk(j, jb)
            lnw = L0 if (b + 1) % 2 == 0 else L1
            @pl.when(j >= 3)
            def _slot_reclaim():
                pltpu.make_async_copy(slot_ref(s1, lnw),
                                      out_hbm.at[pl.ds(0, lnw)],
                                      ssem[s1]).wait()
            src, dst, sem = gather_desc(j, jb)
            pltpu.make_async_copy(src, dst, sem).wait()
            pltpu.async_copy(rows[jb].at[pl.ds(0, jln)], slot_ref(s1, jln),
                             csem[s1])

        @pl.when(jnp.logical_and(k - STAG - 2 >= 0, k - STAG - 2 < NBLK))
        def _store():
            j = k - STAG - 2
            jb = b
            s2 = b % 3
            joff, _, jln = blk(j, jb)
            pltpu.make_async_copy(rows[jb].at[pl.ds(0, jln)],
                                  slot_ref(s2, jln), csem[s2]).wait()
            pltpu.async_copy(
                slot_ref(s2, jln),
                out_hbm.at[pl.ds(pl.multiple_of(wid * IDX_PER_W, 8) + joff,
                                 jln)],
                ssem[s2])

        @pl.when(k < NBLK)
        def _launch():
            _, hoff, ln = blk(k, b)
            pltpu.async_copy(psh.at[pl.ds(hoff, ln)],
                             rows[b].at[pl.ds(0, ln)], psem[b]).wait()
            src, dst, sem = gather_desc(k, b)
            pltpu.async_copy(src, dst, sem, add=True)

    @pl.loop(0, NBLK + STAG + NBUF, step=NBUF)
    def _outer(g):
        for b in range(NBUF):
            step(g + b, b)

    for j in (NBLK - 3, NBLK - 2, NBLK - 1):
        ln = L0 if j % 2 == 0 else L1
        pltpu.make_async_copy(slot_ref(j % 3, ln),
                              out_hbm.at[pl.ds(0, ln)], ssem[j % 3]).wait()


def kernel(x, token_table, pos_table):
    mesh = plsc.VectorSubcoreMesh(core_axis_name="c", subcore_axis_name="s")
    f = pl.kernel(
        _body,
        out_type=jax.ShapeDtypeStruct((BATCH * SEQ, D), jnp.float32),
        mesh=mesh,
        scratch_types=[
            pltpu.VMEM((IDX_PER_W,), jnp.int32),
            [pltpu.VMEM((L0, D), jnp.float32) for _ in range(NBUF)],
            pltpu.VMEM_SHARED((SEQ, D), jnp.float32),
            pltpu.VMEM_SHARED((NS * 3 * L0, D), jnp.float32),
            [[pltpu.SemaphoreType.DMA for _ in range(NBUF)],
             [pltpu.SemaphoreType.DMA for _ in range(NBUF)],
             [pltpu.SemaphoreType.DMA for _ in range(3)],
             [pltpu.SemaphoreType.DMA for _ in range(3)]],
        ],
    )
    out = f(x.reshape(-1), token_table, pos_table)
    return out.reshape(BATCH, SEQ, D)

# --- scband reference (transcript-rebuilt; emitter-appended) ---
"""Pipeline reference for scband-embeddings-41566693491535 (READ-ONLY COPY).

The authoritative reference and input builder live on the scoring server;
editing this copy changes nothing except your own understanding.
"""

import jax, jax.numpy as jnp
import numpy as np

VOCAB = 100000
N_EMBD = 128
MAX_SEQ_LEN = 200
PADDING_IDX = 0
BATCH = 1024
SEQ_LEN = 200


def setup_inputs(seed: int = 0) -> dict:
    key = jax.random.key(seed)
    k_x, k_tok, k_pos = jax.random.split(key, 3)
    x = jax.random.randint(k_x, (BATCH, SEQ_LEN), 0, VOCAB, dtype=jnp.int64 if jax.config.jax_enable_x64 else jnp.int32).astype(jnp.int32)
    token_table = jax.random.normal(k_tok, (VOCAB, N_EMBD), dtype=jnp.float32)
    # nn.Embedding with padding_idx initializes that row to zero
    token_table = token_table.at[PADDING_IDX].set(0.0)
    pos_table = jax.random.normal(k_pos, (MAX_SEQ_LEN, N_EMBD), dtype=jnp.float32)
    return {"x": x, "token_table": token_table, "pos_table": pos_table}


def reference(x, token_table, pos_table):
    seq_len = x.shape[1]
    assert seq_len <= pos_table.shape[0]
    # token embedding: gather rows
    tok_embed = jnp.take(token_table, x, axis=0)  # [B, S, D]
    # position embedding
    pos = jnp.arange(0, seq_len)[None, :]  # [1, S]
    pos_embed = jnp.take(pos_table, pos, axis=0)  # [1, S, D]
    out = tok_embed + pos_embed
    # dropout in eval mode is identity
    return out

if __name__ == "__main__":
    import jax
    _d = setup_inputs()
    print(jax.jit(kernel)(*tuple(_d.values())))

</pallas_src>

<mosaic_0001>
#map = affine_map<(d0, d1) -> (0)>
#map1 = affine_map<(d0, d1) -> (0, 0)>
module attributes {stable_mosaic.version = 14 : i64} {
  func.func @_body(%arg0: i32, %arg1: i32, %arg2: memref<204800xi32, #tpu.memory_space<hbm>>, %arg3: memref<100000x128xf32, #tpu.memory_space<hbm>>, %arg4: memref<200x128xf32, #tpu.memory_space<hbm>>, %arg5: memref<204800x128xf32, #tpu.memory_space<hbm>>, %arg6: memref<6400xi32, #tpu.memory_space<vmem>>, %arg7: memref<104x128xf32, #tpu.memory_space<vmem>>, %arg8: memref<104x128xf32, #tpu.memory_space<vmem>>, %arg9: memref<104x128xf32, #tpu.memory_space<vmem>>, %arg10: memref<104x128xf32, #tpu.memory_space<vmem>>, %arg11: memref<104x128xf32, #tpu.memory_space<vmem>>, %arg12: memref<104x128xf32, #tpu.memory_space<vmem>>, %arg13: memref<200x128xf32, #tpu.memory_space<vmem_shared>>, %arg14: memref<4992x128xf32, #tpu.memory_space<vmem_shared>>, %arg15: memref<!tpu.dma_semaphore, #tpu.memory_space<semaphore_mem>>, %arg16: memref<!tpu.dma_semaphore, #tpu.memory_space<semaphore_mem>>, %arg17: memref<!tpu.dma_semaphore, #tpu.memory_space<semaphore_mem>>, %arg18: memref<!tpu.dma_semaphore, #tpu.memory_space<semaphore_mem>>, %arg19: memref<!tpu.dma_semaphore, #tpu.memory_space<semaphore_mem>>, %arg20: memref<!tpu.dma_semaphore, #tpu.memory_space<semaphore_mem>>, %arg21: memref<!tpu.dma_semaphore, #tpu.memory_space<semaphore_mem>>, %arg22: memref<!tpu.dma_semaphore, #tpu.memory_space<semaphore_mem>>, %arg23: memref<!tpu.dma_semaphore, #tpu.memory_space<semaphore_mem>>, %arg24: memref<!tpu.dma_semaphore, #tpu.memory_space<semaphore_mem>>, %arg25: memref<!tpu.dma_semaphore, #tpu.memory_space<semaphore_mem>>, %arg26: memref<!tpu.dma_semaphore, #tpu.memory_space<semaphore_mem>>, %arg27: memref<!tpu.dma_semaphore, #tpu.memory_space<semaphore_mem>>, %arg28: memref<!tpu.dma_semaphore, #tpu.memory_space<semaphore_mem>>, %arg29: memref<!tpu.dma_semaphore, #tpu.memory_space<semaphore_mem>>, %arg30: memref<!tpu.dma_semaphore, #tpu.memory_space<semaphore_mem>>, %arg31: memref<!tpu.dma_semaphore, #tpu.memory_space<semaphore_mem>>, %arg32: memref<!tpu.dma_semaphore, #tpu.memory_space<semaphore_mem>>) attributes {dimension_semantics = [#tpu.dimension_semantics<core_parallel>, #tpu.dimension_semantics<subcore_parallel>], iteration_bounds = array<i64: 2, 16>, scalar_prefetch = 0 : i64, scratch_operands = 27 : i64, tpu.core_type = #tpu.core_type<sc_vector_subcore>, window_params = [{transform_indices = #map}, {transform_indices = #map1}, {transform_indices = #map1}, {transform_indices = #map1}]} {
    %mul3A = arith.constant 2 : i32
    %mul3A_0 = arith.muli %arg1, %mul3A : i32
    %add3A = arith.addi %mul3A_0, %arg0 : i32
    %mul3A_1 = arith.constant 6400 : i32
    %mul3A_2 = arith.muli %add3A, %mul3A_1 : i32
    %multiple_of3A = tpu.assume_multiple %mul3A_2, 8 : i32
    "tpu.region"() ({
      %run_scoped3A = tpu.sem_alloc : memref<!tpu.dma_semaphore, #tpu.memory_space<semaphore_mem>>
      %dma_start3A = tpu.memref_slice %arg2[%multiple_of3A] : memref<204800xi32, #tpu.memory_space<hbm>> -> memref<6400xi32, #tpu.memory_space<hbm>>
      %dma_start3A_44 = tpu.memref_slice %arg2[%multiple_of3A] : memref<204800xi32, #tpu.memory_space<hbm>> -> memref<6400xi32, #tpu.memory_space<hbm>>
      tpu.enqueue_dma source(%dma_start3A_44 : memref<6400xi32, #tpu.memory_space<hbm>>) target(%arg6 : memref<6400xi32, #tpu.memory_space<vmem>>) target_semaphore(%run_scoped3A : memref<!tpu.dma_semaphore, #tpu.memory_space<semaphore_mem>>)
      %dma_wait3A_45 = tpu.memref_slice %arg2[%multiple_of3A] : memref<204800xi32, #tpu.memory_space<hbm>> -> memref<6400xi32, #tpu.memory_space<hbm>>
      %dma_wait3A_46 = tpu.memref_slice %arg2[%multiple_of3A] : memref<204800xi32, #tpu.memory_space<hbm>> -> memref<6400xi32, #tpu.memory_space<hbm>>
      tpu.wait_dma2 semaphore(%run_scoped3A : memref<!tpu.dma_semaphore, #tpu.memory_space<semaphore_mem>>) src(%dma_wait3A_46 : memref<6400xi32, #tpu.memory_space<hbm>>) dst(%arg6 : memref<6400xi32, #tpu.memory_space<vmem>>)
      tpu.yield
    }) : () -> ()
    %eq3A = arith.constant 0 : i32
    %eq3A_3 = arith.cmpi eq, %arg1, %eq3A : i32
    %convert_element_type3A = arith.extui %eq3A_3 : i1 to i32
    %cond3A = arith.constant 0 : i32
    %cond3A_4 = arith.cmpi ne, %convert_element_type3A, %cond3A : i32
    scf.if %cond3A_4 {
      "tpu.region"() ({
        %run_scoped3A = tpu.sem_alloc : memref<!tpu.dma_semaphore, #tpu.memory_space<semaphore_mem>>
        %dma_start3A = arith.constant 0 : i32
        %dma_start3A_44 = arith.constant 0 : i32
        %dma_start3A_45 = tpu.memref_slice %arg7[%dma_start3A, %dma_start3A_44] : memref<104x128xf32, #tpu.memory_space<vmem>> -> memref<104x128xf32, #tpu.memory_space<vmem>>
        %dma_start3A_46 = arith.constant 0 : i32
        %dma_start3A_47 = arith.constant 0 : i32
        %dma_start3A_48 = tpu.memref_slice %arg4[%dma_start3A_46, %dma_start3A_47] : memref<200x128xf32, #tpu.memory_space<hbm>> -> memref<104x128xf32, #tpu.memory_space<hbm>>
        %dma_start3A_49 = arith.constant 0 : i32
        %dma_start3A_50 = arith.constant 0 : i32
        %dma_start3A_51 = tpu.memref_slice %arg7[%dma_start3A_49, %dma_start3A_50] : memref<104x128xf32, #tpu.memory_space<vmem>> -> memref<104x128xf32, #tpu.memory_space<vmem>>
        %dma_start3A_52 = arith.constant 0 : i32
        %dma_start3A_53 = arith.constant 0 : i32
        %dma_start3A_54 = tpu.memref_slice %arg4[%dma_start3A_52, %dma_start3A_53] : memref<200x128xf32, #tpu.memory_space<hbm>> -> memref<104x128xf32, #tpu.memory_space<hbm>>
        tpu.enqueue_dma source(%dma_start3A_54 : memref<104x128xf32, #tpu.memory_space<hbm>>) target(%dma_start3A_51 : memref<104x128xf32, #tpu.memory_space<vmem>>) target_semaphore(%run_scoped3A : memref<!tpu.dma_semaphore, #tpu.memory_space<semaphore_mem>>)
        %dma_wait3A_55 = arith.constant 0 : i32
        %dma_wait3A_56 = arith.constant 0 : i32
        %dma_wait3A_57 = tpu.memref_slice %arg7[%dma_wait3A_55, %dma_wait3A_56] : memref<104x128xf32, #tpu.memory_space<vmem>> -> memref<104x128xf32, #tpu.memory_space<vmem>>
        %dma_wait3A_58 = arith.constant 0 : i32
        %dma_wait3A_59 = arith.constant 0 : i32
        %dma_wait3A_60 = tpu.memref_slice %arg4[%dma_wait3A_58, %dma_wait3A_59] : memref<200x128xf32, #tpu.memory_space<hbm>> -> memref<104x128xf32, #tpu.memory_space<hbm>>
        %dma_wait3A_61 = arith.constant 0 : i32
        %dma_wait3A_62 = arith.constant 0 : i32
        %dma_wait3A_63 = tpu.memref_slice %arg7[%dma_wait3A_61, %dma_wait3A_62] : memref<104x128xf32, #tpu.memory_space<vmem>> -> memref<104x128xf32, #tpu.memory_space<vmem>>
        %dma_wait3A_64 = arith.constant 0 : i32
        %dma_wait3A_65 = arith.constant 0 : i32
        %dma_wait3A_66 = tpu.memref_slice %arg4[%dma_wait3A_64, %dma_wait3A_65] : memref<200x128xf32, #tpu.memory_space<hbm>> -> memref<104x128xf32, #tpu.memory_space<hbm>>
        tpu.wait_dma2 semaphore(%run_scoped3A : memref<!tpu.dma_semaphore, #tpu.memory_space<semaphore_mem>>) src(%dma_wait3A_66 : memref<104x128xf32, #tpu.memory_space<hbm>>) dst(%dma_wait3A_63 : memref<104x128xf32, #tpu.memory_space<vmem>>)
        tpu.yield
      }) : () -> ()
      "tpu.region"() ({
        %run_scoped3A = tpu.sem_alloc : memref<!tpu.dma_semaphore, #tpu.memory_space<semaphore_mem>>
        %dma_start3A = arith.constant 0 : i32
        %dma_start3A_44 = arith.constant 0 : i32
        %dma_start3A_45 = tpu.memref_slice %arg7[%dma_start3A, %dma_start3A_44] : memref<104x128xf32, #tpu.memory_space<vmem>> -> memref<104x128xf32, #tpu.memory_space<vmem>>
        %dma_start3A_46 = arith.constant 0 : i32
        %dma_start3A_47 = arith.constant 0 : i32
        %dma_start3A_48 = tpu.memref_slice %arg13[%dma_start3A_46, %dma_start3A_47] : memref<200x128xf32, #tpu.memory_space<vmem_shared>> -> memref<104x128xf32, #tpu.memory_space<vmem_shared>>
        %dma_start3A_49 = arith.constant 0 : i32
        %dma_start3A_50 = arith.constant 0 : i32
        %dma_start3A_51 = tpu.memref_slice %arg13[%dma_start3A_49, %dma_start3A_50] : memref<200x128xf32, #tpu.memory_space<vmem_shared>> -> memref<104x128xf32, #tpu.memory_space<vmem_shared>>
        %dma_start3A_52 = arith.constant 0 : i32
        %dma_start3A_53 = arith.constant 0 : i32
        %dma_start3A_54 = tpu.memref_slice %arg7[%dma_start3A_52, %dma_start3A_53] : memref<104x128xf32, #tpu.memory_space<vmem>> -> memref<104x128xf32, #tpu.memory_space<vmem>>
        tpu.enqueue_dma source(%dma_start3A_54 : memref<104x128xf32, #tpu.memory_space<vmem>>) target(%dma_start3A_51 : memref<104x128xf32, #tpu.memory_space<vmem_shared>>) target_semaphore(%run_scoped3A : memref<!tpu.dma_semaphore, #tpu.memory_space<semaphore_mem>>)
        %dma_wait3A_55 = arith.constant 0 : i32
        %dma_wait3A_56 = arith.constant 0 : i32
        %dma_wait3A_57 = tpu.memref_slice %arg7[%dma_wait3A_55, %dma_wait3A_56] : memref<104x128xf32, #tpu.memory_space<vmem>> -> memref<104x128xf32, #tpu.memory_space<vmem>>
        %dma_wait3A_58 = arith.constant 0 : i32
        %dma_wait3A_59 = arith.constant 0 : i32
        %dma_wait3A_60 = tpu.memref_slice %arg13[%dma_wait3A_58, %dma_wait3A_59] : memref<200x128xf32, #tpu.memory_space<vmem_shared>> -> memref<104x128xf32, #tpu.memory_space<vmem_shared>>
        %dma_wait3A_61 = arith.constant 0 : i32
        %dma_wait3A_62 = arith.constant 0 : i32
        %dma_wait3A_63 = tpu.memref_slice %arg13[%dma_wait3A_61, %dma_wait3A_62] : memref<200x128xf32, #tpu.memory_space<vmem_shared>> -> memref<104x128xf32, #tpu.memory_space<vmem_shared>>
        %dma_wait3A_64 = arith.constant 0 : i32
        %dma_wait3A_65 = arith.constant 0 : i32
        %dma_wait3A_66 = tpu.memref_slice %arg7[%dma_wait3A_64, %dma_wait3A_65] : memref<104x128xf32, #tpu.memory_space<vmem>> -> memref<104x128xf32, #tpu.memory_space<vmem>>
        tpu.wait_dma2 semaphore(%run_scoped3A : memref<!tpu.dma_semaphore, #tpu.memory_space<semaphore_mem>>) src(%dma_wait3A_66 : memref<104x128xf32, #tpu.memory_space<vmem>>) dst(%dma_wait3A_63 : memref<104x128xf32, #tpu.memory_space<vmem_shared>>)
        tpu.yield
      }) : () -> ()
      "tpu.region"() ({
        %run_scoped3A = tpu.sem_alloc : memref<!tpu.dma_semaphore, #tpu.memory_space<semaphore_mem>>
        %dma_start3A = arith.constant 0 : i32
        %dma_start3A_44 = arith.constant 0 : i32
        %dma_start3A_45 = tpu.memref_slice %arg8[%dma_start3A, %dma_start3A_44] : memref<104x128xf32, #tpu.memory_space<vmem>> -> memref<96x128xf32, #tpu.memory_space<vmem>>
        %dma_start3A_46 = arith.constant 104 : i32
        %dma_start3A_47 = arith.constant 0 : i32
        %dma_start3A_48 = tpu.memref_slice %arg4[%dma_start3A_46, %dma_start3A_47] : memref<200x128xf32, #tpu.memory_space<hbm>> -> memref<96x128xf32, #tpu.memory_space<hbm>>
        %dma_start3A_49 = arith.constant 0 : i32
        %dma_start3A_50 = arith.constant 0 : i32
        %dma_start3A_51 = tpu.memref_slice %arg8[%dma_start3A_49, %dma_start3A_50] : memref<104x128xf32, #tpu.memory_space<vmem>> -> memref<96x128xf32, #tpu.memory_space<vmem>>
        %dma_start3A_52 = arith.constant 104 : i32
        %dma_start3A_53 = arith.constant 0 : i32
        %dma_start3A_54 = tpu.memref_slice %arg4[%dma_start3A_52, %dma_start3A_53] : memref<200x128xf32, #tpu.memory_space<hbm>> -> memref<96x128xf32, #tpu.memory_space<hbm>>
        tpu.enqueue_dma source(%dma_start3A_54 : memref<96x128xf32, #tpu.memory_space<hbm>>) target(%dma_start3A_51 : memref<96x128xf32, #tpu.memory_space<vmem>>) target_semaphore(%run_scoped3A : memref<!tpu.dma_semaphore, #tpu.memory_space<semaphore_mem>>)
        %dma_wait3A_55 = arith.constant 0 : i32
        %dma_wait3A_56 = arith.constant 0 : i32
        %dma_wait3A_57 = tpu.memref_slice %arg8[%dma_wait3A_55, %dma_wait3A_56] : memref<104x128xf32, #tpu.memory_space<vmem>> -> memref<96x128xf32, #tpu.memory_space<vmem>>
        %dma_wait3A_58 = arith.constant 104 : i32
        %dma_wait3A_59 = arith.constant 0 : i32
        %dma_wait3A_60 = tpu.memref_slice %arg4[%dma_wait3A_58, %dma_wait3A_59] : memref<200x128xf32, #tpu.memory_space<hbm>> -> memref<96x128xf32, #tpu.memory_space<hbm>>
        %dma_wait3A_61 = arith.constant 0 : i32
        %dma_wait3A_62 = arith.constant 0 : i32
        %dma_wait3A_63 = tpu.memref_slice %arg8[%dma_wait3A_61, %dma_wait3A_62] : memref<104x128xf32, #tpu.memory_space<vmem>> -> memref<96x128xf32, #tpu.memory_space<vmem>>
        %dma_wait3A_64 = arith.constant 104 : i32
        %dma_wait3A_65 = arith.constant 0 : i32
        %dma_wait3A_66 = tpu.memref_slice %arg4[%dma_wait3A_64, %dma_wait3A_65] : memref<200x128xf32, #tpu.memory_space<hbm>> -> memref<96x128xf32, #tpu.memory_space<hbm>>
        tpu.wait_dma2 semaphore(%run_scoped3A : memref<!tpu.dma_semaphore, #tpu.memory_space<semaphore_mem>>) src(%dma_wait3A_66 : memref<96x128xf32, #tpu.memory_space<hbm>>) dst(%dma_wait3A_63 : memref<96x128xf32, #tpu.memory_space<vmem>>)
        tpu.yield
      }) : () -> ()
      "tpu.region"() ({
        %run_scoped3A = tpu.sem_alloc : memref<!tpu.dma_semaphore, #tpu.memory_space<semaphore_mem>>
        %dma_start3A = arith.constant 0 : i32
        %dma_start3A_44 = arith.constant 0 : i32
        %dma_start3A_45 = tpu.memref_slice %arg8[%dma_start3A, %dma_start3A_44] : memref<104x128xf32, #tpu.memory_space<vmem>> -> memref<96x128xf32, #tpu.memory_space<vmem>>
        %dma_start3A_46 = arith.constant 104 : i32
        %dma_start3A_47 = arith.constant 0 : i32
        %dma_start3A_48 = tpu.memref_slice %arg13[%dma_start3A_46, %dma_start3A_47] : memref<200x128xf32, #tpu.memory_space<vmem_shared>> -> memref<96x128xf32, #tpu.memory_space<vmem_shared>>
        %dma_start3A_49 = arith.constant 104 : i32
        %dma_start3A_50 = arith.constant 0 : i32
        %dma_start3A_51 = tpu.memref_slice %arg13[%dma_start3A_49, %dma_start3A_50] : memref<200x128xf32, #tpu.memory_space<vmem_shared>> -> memref<96x128xf32, #tpu.memory_space<vmem_shared>>
        %dma_start3A_52 = arith.constant 0 : i32
        %dma_start3A_53 = arith.constant 0 : i32
        %dma_start3A_54 = tpu.memref_slice %arg8[%dma_start3A_52, %dma_start3A_53] : memref<104x128xf32, #tpu.memory_space<vmem>> -> memref<96x128xf32, #tpu.memory_space<vmem>>
        tpu.enqueue_dma source(%dma_start3A_54 : memref<96x128xf32, #tpu.memory_space<vmem>>) target(%dma_start3A_51 : memref<96x128xf32, #tpu.memory_space<vmem_shared>>) target_semaphore(%run_scoped3A : memref<!tpu.dma_semaphore, #tpu.memory_space<semaphore_mem>>)
        %dma_wait3A_55 = arith.constant 0 : i32
        %dma_wait3A_56 = arith.constant 0 : i32
        %dma_wait3A_57 = tpu.memref_slice %arg8[%dma_wait3A_55, %dma_wait3A_56] : memref<104x128xf32, #tpu.memory_space<vmem>> -> memref<96x128xf32, #tpu.memory_space<vmem>>
        %dma_wait3A_58 = arith.constant 104 : i32
        %dma_wait3A_59 = arith.constant 0 : i32
        %dma_wait3A_60 = tpu.memref_slice %arg13[%dma_wait3A_58, %dma_wait3A_59] : memref<200x128xf32, #tpu.memory_space<vmem_shared>> -> memref<96x128xf32, #tpu.memory_space<vmem_shared>>
        %dma_wait3A_61 = arith.constant 104 : i32
        %dma_wait3A_62 = arith.constant 0 : i32
        %dma_wait3A_63 = tpu.memref_slice %arg13[%dma_wait3A_61, %dma_wait3A_62] : memref<200x128xf32, #tpu.memory_space<vmem_shared>> -> memref<96x128xf32, #tpu.memory_space<vmem_shared>>
        %dma_wait3A_64 = arith.constant 0 : i32
        %dma_wait3A_65 = arith.constant 0 : i32
        %dma_wait3A_66 = tpu.memref_slice %arg8[%dma_wait3A_64, %dma_wait3A_65] : memref<104x128xf32, #tpu.memory_space<vmem>> -> memref<96x128xf32, #tpu.memory_space<vmem>>
        tpu.wait_dma2 semaphore(%run_scoped3A : memref<!tpu.dma_semaphore, #tpu.memory_space<semaphore_mem>>) src(%dma_wait3A_66 : memref<96x128xf32, #tpu.memory_space<vmem>>) dst(%dma_wait3A_63 : memref<96x128xf32, #tpu.memory_space<vmem_shared>>)
        tpu.yield
      }) : () -> ()
    } else {
    }
    %barrier3A = arith.constant 0 : index
    tpu.barrier barrier_id(%barrier3A)
    %scan3A = arith.constant 0 : i32
    %scan3A_5 = arith.constant 13 : i32
    %scan3A_6 = arith.addi %scan3A, %scan3A_5 : i32
    %scan3A_7 = arith.constant 1 : i32
    scf.for %scan3A_44 = %scan3A to %scan3A_6 step %scan3A_7  : i32 {
      %mul3A_45 = arith.constant 6 : i32
      %mul3A_46 = arith.muli %scan3A_44, %mul3A_45 : i32
      %add3A_47 = arith.constant 0 : i32
      %add3A_48 = arith.addi %add3A_47, %mul3A_46 : i32
      %add3A_49 = arith.constant 0 : i32
      %add3A_50 = arith.addi %add3A_48, %add3A_49 : i32
      %sub3A = arith.constant 4 : i32
      %sub3A_51 = arith.subi %add3A_50, %sub3A : i32
      %ge3A = arith.constant 0 : i32
      %ge3A_52 = arith.cmpi sge, %sub3A_51, %ge3A : i32
      %sub3A_53 = arith.constant 4 : i32
      %sub3A_54 = arith.subi %add3A_50, %sub3A_53 : i32
      %lt3A = arith.constant 64 : i32
      %lt3A_55 = arith.cmpi slt, %sub3A_54, %lt3A : i32
      %and3A = arith.andi %ge3A_52, %lt3A_55 : i1
      %convert_element_type3A_56 = arith.extui %and3A : i1 to i32
      %cond3A_57 = arith.constant 0 : i32
      %cond3A_58 = arith.cmpi ne, %convert_element_type3A_56, %cond3A_57 : i32
      scf.if %cond3A_58 {
        %sub3A_255 = arith.constant 4 : i32
        %sub3A_256 = arith.subi %add3A_50, %sub3A_255 : i32
        %jit3A = arith.constant 2 : i32
        %div3A = arith.divsi %sub3A_256, %jit3A : i32
        %sign3A = arith.constant 0 : i32
        %sign3A_257 = arith.cmpi sgt, %sub3A_256, %sign3A : i32
        %sign3A_258 = arith.extui %sign3A_257 : i1 to i32
        %sign3A_259 = arith.constant 0 : i32
        %sign3A_260 = arith.cmpi slt, %sub3A_256, %sign3A_259 : i32
        %sign3A_261 = arith.extui %sign3A_260 : i1 to i32
        %sign3A_262 = arith.subi %sign3A_258, %sign3A_261 : i32
        %sign3A_263 = arith.constant 0 : i32
        %sign3A_264 = arith.cmpi sgt, %jit3A, %sign3A_263 : i32
        %sign3A_265 = arith.extui %sign3A_264 : i1 to i32
        %sign3A_266 = arith.constant 0 : i32
        %sign3A_267 = arith.cmpi slt, %jit3A, %sign3A_266 : i32
        %sign3A_268 = arith.extui %sign3A_267 : i1 to i32
        %sign3A_269 = arith.subi %sign3A_265, %sign3A_268 : i32
        %ne3A = arith.cmpi ne, %sign3A_262, %sign3A_269 : i32
        %rem3A = arith.remsi %sub3A_256, %jit3A : i32
        %ne3A_270 = arith.constant 0 : i32
        %ne3A_271 = arith.cmpi ne, %rem3A, %ne3A_270 : i32
        %and3A_272 = arith.andi %ne3A, %ne3A_271 : i1
        %sub3A_273 = arith.constant 1 : i32
        %sub3A_274 = arith.subi %div3A, %sub3A_273 : i32
        %select_n3A = arith.select %and3A_272, %sub3A_274, %div3A : i32
        %mul3A_275 = arith.constant 200 : i32
        %mul3A_276 = arith.muli %select_n3A, %mul3A_275 : i32
        %add3A_277 = arith.constant 0 : i32
        %add3A_278 = arith.addi %mul3A_276, %add3A_277 : i32
        %multiple_of3A_279 = tpu.assume_multiple %add3A_278, 8 : i32
        %ge3A_280 = arith.constant 3 : i32
        %ge3A_281 = arith.cmpi sge, %sub3A_256, %ge3A_280 : i32
        %convert_element_type3A_282 = arith.extui %ge3A_281 : i1 to i32
        %cond3A_283 = arith.constant 0 : i32
        %cond3A_284 = arith.cmpi ne, %convert_element_type3A_282, %cond3A_283 : i32
        scf.if %cond3A_284 {
          %mul3A_337 = arith.constant 3 : i32
          %mul3A_338 = arith.muli %arg1, %mul3A_337 : i32
          %add3A_339 = arith.constant 2 : i32
          %add3A_340 = arith.addi %mul3A_338, %add3A_339 : i32
          %mul3A_341 = arith.constant 104 : i32
          %mul3A_342 = arith.muli %add3A_340, %mul3A_341 : i32
          %multiple_of3A_343 = tpu.assume_multiple %mul3A_342, 8 : i32
          %dma_wait3A_344 = arith.constant 0 : i32
          %dma_wait3A_345 = arith.constant 0 : i32
          %dma_wait3A_346 = tpu.memref_slice %arg5[%dma_wait3A_344, %dma_wait3A_345] : memref<204800x128xf32, #tpu.memory_space<hbm>> -> memref<96x128xf32, #tpu.memory_space<hbm>>
          %dma_wait3A_347 = arith.constant 0 : i32
          %dma_wait3A_348 = tpu.memref_slice %arg14[%multiple_of3A_343, %dma_wait3A_347] : memref<4992x128xf32, #tpu.memory_space<vmem_shared>> -> memref<96x128xf32, #tpu.memory_space<vmem_shared>>
          tpu.wait_dma2 semaphore(%arg32 : memref<!tpu.dma_semaphore, #tpu.memory_space<semaphore_mem>>) src(%dma_wait3A_348 : memref<96x128xf32, #tpu.memory_space<vmem_shared>>) dst(%dma_wait3A_346 : memref<96x128xf32, #tpu.memory_space<hbm>>)
        } else {
        }
        %jit3A_285 = arith.constant 2 : i32
        %div3A_286 = arith.divsi %sub3A_256, %jit3A_285 : i32
        %sign3A_287 = arith.constant 0 : i32
        %sign3A_288 = arith.cmpi sgt, %sub3A_256, %sign3A_287 : i32
        %sign3A_289 = arith.extui %sign3A_288 : i1 to i32
        %sign3A_290 = arith.constant 0 : i32
        %sign3A_291 = arith.cmpi slt, %sub3A_256, %sign3A_290 : i32
        %sign3A_292 = arith.extui %sign3A_291 : i1 to i32
        %sign3A_293 = arith.subi %sign3A_289, %sign3A_292 : i32
        %sign3A_294 = arith.constant 0 : i32
        %sign3A_295 = arith.cmpi sgt, %jit3A_285, %sign3A_294 : i32
        %sign3A_296 = arith.extui %sign3A_295 : i1 to i32
        %sign3A_297 = arith.constant 0 : i32
        %sign3A_298 = arith.cmpi slt, %jit3A_285, %sign3A_297 : i32
        %sign3A_299 = arith.extui %sign3A_298 : i1 to i32
        %sign3A_300 = arith.subi %sign3A_296, %sign3A_299 : i32
        %ne3A_301 = arith.cmpi ne, %sign3A_293, %sign3A_300 : i32
        %rem3A_302 = arith.remsi %sub3A_256, %jit3A_285 : i32
        %ne3A_303 = arith.constant 0 : i32
        %ne3A_304 = arith.cmpi ne, %rem3A_302, %ne3A_303 : i32
        %and3A_305 = arith.andi %ne3A_301, %ne3A_304 : i1
        %sub3A_306 = arith.constant 1 : i32
        %sub3A_307 = arith.subi %div3A_286, %sub3A_306 : i32
        %select_n3A_308 = arith.select %and3A_305, %sub3A_307, %div3A_286 : i32
        %mul3A_309 = arith.constant 200 : i32
        %mul3A_310 = arith.muli %select_n3A_308, %mul3A_309 : i32
        %add3A_311 = arith.constant 0 : i32
        %add3A_312 = arith.addi %mul3A_310, %add3A_311 : i32
        %multiple_of3A_313 = tpu.assume_multiple %add3A_312, 8 : i32
        %dma_wait3A_314 = arith.constant 0 : i32
        %dma_wait3A_315 = arith.constant 0 : i32
        %dma_wait3A_316 = tpu.memref_slice %arg9[%dma_wait3A_314, %dma_wait3A_315] : memref<104x128xf32, #tpu.memory_space<vmem>> -> memref<104x128xf32, #tpu.memory_space<vmem>>
        %dma_wait3A_317 = tpu.memref_slice %arg6[%multiple_of3A_313] : memref<6400xi32, #tpu.memory_space<vmem>> -> memref<104xi32, #tpu.memory_space<vmem>>
        %dma_wait3A_318 = arith.constant 0 : i32
        %dma_wait3A_319 = arith.constant 0 : i32
        %dma_wait3A_320 = tpu.memref_slice %arg3[%dma_wait3A_318, %dma_wait3A_319] : memref<100000x128xf32, #tpu.memory_space<hbm>> -> memref<100000x128xf32, #tpu.memory_space<hbm>>
        tpu.wait_indirect_dma semaphore(%arg23 : memref<!tpu.dma_semaphore, #tpu.memory_space<semaphore_mem>>) src(%dma_wait3A_320 : memref<100000x128xf32, #tpu.memory_space<hbm>>) dst(%dma_wait3A_316 : memref<104x128xf32, #tpu.memory_space<vmem>>)
        %mul3A_321 = arith.constant 3 : i32
        %mul3A_322 = arith.muli %arg1, %mul3A_321 : i32
        %add3A_323 = arith.constant 2 : i32
        %add3A_324 = arith.addi %mul3A_322, %add3A_323 : i32
        %mul3A_325 = arith.constant 104 : i32
        %mul3A_326 = arith.muli %add3A_324, %mul3A_325 : i32
        %multiple_of3A_327 = tpu.assume_multiple %mul3A_326, 8 : i32
        %dma_start3A = arith.constant 0 : i32
        %dma_start3A_328 = arith.constant 0 : i32
        %dma_start3A_329 = tpu.memref_slice %arg9[%dma_start3A, %dma_start3A_328] : memref<104x128xf32, #tpu.memory_space<vmem>> -> memref<104x128xf32, #tpu.memory_space<vmem>>
        %dma_start3A_330 = arith.constant 0 : i32
        %dma_start3A_331 = tpu.memref_slice %arg14[%multiple_of3A_327, %dma_start3A_330] : memref<4992x128xf32, #tpu.memory_space<vmem_shared>> -> memref<104x128xf32, #tpu.memory_space<vmem_shared>>
        %dma_start3A_332 = arith.constant 0 : i32
        %dma_start3A_333 = tpu.memref_slice %arg14[%multiple_of3A_327, %dma_start3A_332] : memref<4992x128xf32, #tpu.memory_space<vmem_shared>> -> memref<104x128xf32, #tpu.memory_space<vmem_shared>>
        %dma_start3A_334 = arith.constant 0 : i32
        %dma_start3A_335 = arith.constant 0 : i32
        %dma_start3A_336 = tpu.memref_slice %arg9[%dma_start3A_334, %dma_start3A_335] : memref<104x128xf32, #tpu.memory_space<vmem>> -> memref<104x128xf32, #tpu.memory_space<vmem>>
        tpu.enqueue_dma source(%dma_start3A_336 : memref<104x128xf32, #tpu.memory_space<vmem>>) target(%dma_start3A_333 : memref<104x128xf32, #tpu.memory_space<vmem_shared>>) target_semaphore(%arg29 : memref<!tpu.dma_semaphore, #tpu.memory_space<semaphore_mem>>)
      } else {
      }
      %sub3A_59 = arith.constant 4 : i32
      %sub3A_60 = arith.subi %add3A_50, %sub3A_59 : i32
      %sub3A_61 = arith.constant 2 : i32
      %sub3A_62 = arith.subi %sub3A_60, %sub3A_61 : i32
      %ge3A_63 = arith.constant 0 : i32
      %ge3A_64 = arith.cmpi sge, %sub3A_62, %ge3A_63 : i32
      %sub3A_65 = arith.constant 4 : i32
      %sub3A_66 = arith.subi %add3A_50, %sub3A_65 : i32
      %sub3A_67 = arith.constant 2 : i32
      %sub3A_68 = arith.subi %sub3A_66, %sub3A_67 : i32
      %lt3A_69 = arith.constant 64 : i32
      %lt3A_70 = arith.cmpi slt, %sub3A_68, %lt3A_69 : i32
      %and3A_71 = arith.andi %ge3A_64, %lt3A_70 : i1
      %convert_element_type3A_72 = arith.extui %and3A_71 : i1 to i32
      %cond3A_73 = arith.constant 0 : i32
      %cond3A_74 = arith.cmpi ne, %convert_element_type3A_72, %cond3A_73 : i32
      scf.if %cond3A_74 {
        %sub3A_255 = arith.constant 4 : i32
        %sub3A_256 = arith.subi %add3A_50, %sub3A_255 : i32
        %sub3A_257 = arith.constant 2 : i32
        %sub3A_258 = arith.subi %sub3A_256, %sub3A_257 : i32
        %jit3A = arith.constant 2 : i32
        %div3A = arith.divsi %sub3A_258, %jit3A : i32
        %sign3A = arith.constant 0 : i32
        %sign3A_259 = arith.cmpi sgt, %sub3A_258, %sign3A : i32
        %sign3A_260 = arith.extui %sign3A_259 : i1 to i32
        %sign3A_261 = arith.constant 0 : i32
        %sign3A_262 = arith.cmpi slt, %sub3A_258, %sign3A_261 : i32
        %sign3A_263 = arith.extui %sign3A_262 : i1 to i32
        %sign3A_264 = arith.subi %sign3A_260, %sign3A_263 : i32
        %sign3A_265 = arith.constant 0 : i32
        %sign3A_266 = arith.cmpi sgt, %jit3A, %sign3A_265 : i32
        %sign3A_267 = arith.extui %sign3A_266 : i1 to i32
        %sign3A_268 = arith.constant 0 : i32
        %sign3A_269 = arith.cmpi slt, %jit3A, %sign3A_268 : i32
        %sign3A_270 = arith.extui %sign3A_269 : i1 to i32
        %sign3A_271 = arith.subi %sign3A_267, %sign3A_270 : i32
        %ne3A = arith.cmpi ne, %sign3A_264, %sign3A_271 : i32
        %rem3A = arith.remsi %sub3A_258, %jit3A : i32
        %ne3A_272 = arith.constant 0 : i32
        %ne3A_273 = arith.cmpi ne, %rem3A, %ne3A_272 : i32
        %and3A_274 = arith.andi %ne3A, %ne3A_273 : i1
        %sub3A_275 = arith.constant 1 : i32
        %sub3A_276 = arith.subi %div3A, %sub3A_275 : i32
        %select_n3A = arith.select %and3A_274, %sub3A_276, %div3A : i32
        %mul3A_277 = arith.constant 200 : i32
        %mul3A_278 = arith.muli %select_n3A, %mul3A_277 : i32
        %add3A_279 = arith.constant 0 : i32
        %add3A_280 = arith.addi %mul3A_278, %add3A_279 : i32
        %multiple_of3A_281 = tpu.assume_multiple %add3A_280, 8 : i32
        %mul3A_282 = arith.constant 3 : i32
        %mul3A_283 = arith.muli %arg1, %mul3A_282 : i32
        %add3A_284 = arith.constant 0 : i32
        %add3A_285 = arith.addi %mul3A_283, %add3A_284 : i32
        %mul3A_286 = arith.constant 104 : i32
        %mul3A_287 = arith.muli %add3A_285, %mul3A_286 : i32
        %multiple_of3A_288 = tpu.assume_multiple %mul3A_287, 8 : i32
        %dma_wait3A_289 = arith.constant 0 : i32
        %dma_wait3A_290 = arith.constant 0 : i32
        %dma_wait3A_291 = tpu.memref_slice %arg7[%dma_wait3A_289, %dma_wait3A_290] : memref<104x128xf32, #tpu.memory_space<vmem>> -> memref<104x128xf32, #tpu.memory_space<vmem>>
        %dma_wait3A_292 = arith.constant 0 : i32
        %dma_wait3A_293 = tpu.memref_slice %arg14[%multiple_of3A_288, %dma_wait3A_292] : memref<4992x128xf32, #tpu.memory_space<vmem_shared>> -> memref<104x128xf32, #tpu.memory_space<vmem_shared>>
        %dma_wait3A_294 = arith.constant 0 : i32
        %dma_wait3A_295 = tpu.memref_slice %arg14[%multiple_of3A_288, %dma_wait3A_294] : memref<4992x128xf32, #tpu.memory_space<vmem_shared>> -> memref<104x128xf32, #tpu.memory_space<vmem_shared>>
        %dma_wait3A_296 = arith.constant 0 : i32
        %dma_wait3A_297 = arith.constant 0 : i32
        %dma_wait3A_298 = tpu.memref_slice %arg7[%dma_wait3A_296, %dma_wait3A_297] : memref<104x128xf32, #tpu.memory_space<vmem>> -> memref<104x128xf32, #tpu.memory_space<vmem>>
        tpu.wait_dma2 semaphore(%arg27 : memref<!tpu.dma_semaphore, #tpu.memory_space<semaphore_mem>>) src(%dma_wait3A_298 : memref<104x128xf32, #tpu.memory_space<vmem>>) dst(%dma_wait3A_295 : memref<104x128xf32, #tpu.memory_space<vmem_shared>>)
        %mul3A_299 = arith.constant 3 : i32
        %mul3A_300 = arith.muli %arg1, %mul3A_299 : i32
        %add3A_301 = arith.constant 0 : i32
        %add3A_302 = arith.addi %mul3A_300, %add3A_301 : i32
        %mul3A_303 = arith.constant 104 : i32
        %mul3A_304 = arith.muli %add3A_302, %mul3A_303 : i32
        %multiple_of3A_305 = tpu.assume_multiple %mul3A_304, 8 : i32
        %mul3A_306 = arith.constant 6400 : i32
        %mul3A_307 = arith.muli %add3A, %mul3A_306 : i32
        %multiple_of3A_308 = tpu.assume_multiple %mul3A_307, 8 : i32
        %add3A_309 = arith.addi %multiple_of3A_308, %multiple_of3A_281 : i32
        %dma_start3A = arith.constant 0 : i32
        %dma_start3A_310 = tpu.memref_slice %arg5[%add3A_309, %dma_start3A] : memref<204800x128xf32, #tpu.memory_space<hbm>> -> memref<104x128xf32, #tpu.memory_space<hbm>>
        %dma_start3A_311 = arith.constant 0 : i32
        %dma_start3A_312 = tpu.memref_slice %arg14[%multiple_of3A_305, %dma_start3A_311] : memref<4992x128xf32, #tpu.memory_space<vmem_shared>> -> memref<104x128xf32, #tpu.memory_space<vmem_shared>>
        tpu.enqueue_dma source(%dma_start3A_312 : memref<104x128xf32, #tpu.memory_space<vmem_shared>>) target(%dma_start3A_310 : memref<104x128xf32, #tpu.memory_space<hbm>>) target_semaphore(%arg30 : memref<!tpu.dma_semaphore, #tpu.memory_space<semaphore_mem>>)
      } else {
      }
      %lt3A_75 = arith.constant 64 : i32
      %lt3A_76 = arith.cmpi slt, %add3A_50, %lt3A_75 : i32
      %convert_element_type3A_77 = arith.extui %lt3A_76 : i1 to i32
      %cond3A_78 = arith.constant 0 : i32
      %cond3A_79 = arith.cmpi ne, %convert_element_type3A_77, %cond3A_78 : i32
      scf.if %cond3A_79 {
        %jit3A = arith.constant 2 : i32
        %div3A = arith.divsi %add3A_50, %jit3A : i32
        %sign3A = arith.constant 0 : i32
        %sign3A_255 = arith.cmpi sgt, %add3A_50, %sign3A : i32
        %sign3A_256 = arith.extui %sign3A_255 : i1 to i32
        %sign3A_257 = arith.constant 0 : i32
        %sign3A_258 = arith.cmpi slt, %add3A_50, %sign3A_257 : i32
        %sign3A_259 = arith.extui %sign3A_258 : i1 to i32
        %sign3A_260 = arith.subi %sign3A_256, %sign3A_259 : i32
        %sign3A_261 = arith.constant 0 : i32
        %sign3A_262 = arith.cmpi sgt, %jit3A, %sign3A_261 : i32
        %sign3A_263 = arith.extui %sign3A_262 : i1 to i32
        %sign3A_264 = arith.constant 0 : i32
        %sign3A_265 = arith.cmpi slt, %jit3A, %sign3A_264 : i32
        %sign3A_266 = arith.extui %sign3A_265 : i1 to i32
        %sign3A_267 = arith.subi %sign3A_263, %sign3A_266 : i32
        %ne3A = arith.cmpi ne, %sign3A_260, %sign3A_267 : i32
        %rem3A = arith.remsi %add3A_50, %jit3A : i32
        %ne3A_268 = arith.constant 0 : i32
        %ne3A_269 = arith.cmpi ne, %rem3A, %ne3A_268 : i32
        %and3A_270 = arith.andi %ne3A, %ne3A_269 : i1
        %sub3A_271 = arith.constant 1 : i32
        %sub3A_272 = arith.subi %div3A, %sub3A_271 : i32
        %select_n3A = arith.select %and3A_270, %sub3A_272, %div3A : i32
        %mul3A_273 = arith.constant 200 : i32
        %mul3A_274 = arith.muli %select_n3A, %mul3A_273 : i32
        %add3A_275 = arith.constant 0 : i32
        %add3A_276 = arith.addi %mul3A_274, %add3A_275 : i32
        %multiple_of3A_277 = tpu.assume_multiple %add3A_276, 8 : i32
        %dma_start3A = arith.constant 0 : i32
        %dma_start3A_278 = arith.constant 0 : i32
        %dma_start3A_279 = tpu.memref_slice %arg7[%dma_start3A, %dma_start3A_278] : memref<104x128xf32, #tpu.memory_space<vmem>> -> memref<104x128xf32, #tpu.memory_space<vmem>>
        %dma_start3A_280 = arith.constant 0 : i32
        %dma_start3A_281 = arith.constant 0 : i32
        %dma_start3A_282 = tpu.memref_slice %arg13[%dma_start3A_280, %dma_start3A_281] : memref<200x128xf32, #tpu.memory_space<vmem_shared>> -> memref<104x128xf32, #tpu.memory_space<vmem_shared>>
        %dma_start3A_283 = arith.constant 0 : i32
        %dma_start3A_284 = arith.constant 0 : i32
        %dma_start3A_285 = tpu.memref_slice %arg7[%dma_start3A_283, %dma_start3A_284] : memref<104x128xf32, #tpu.memory_space<vmem>> -> memref<104x128xf32, #tpu.memory_space<vmem>>
        %dma_start3A_286 = arith.constant 0 : i32
        %dma_start3A_287 = arith.constant 0 : i32
        %dma_start3A_288 = tpu.memref_slice %arg13[%dma_start3A_286, %dma_start3A_287] : memref<200x128xf32, #tpu.memory_space<vmem_shared>> -> memref<104x128xf32, #tpu.memory_space<vmem_shared>>
        tpu.enqueue_dma source(%dma_start3A_288 : memref<104x128xf32, #tpu.memory_space<vmem_shared>>) target(%dma_start3A_285 : memref<104x128xf32, #tpu.memory_space<vmem>>) target_semaphore(%arg15 : memref<!tpu.dma_semaphore, #tpu.memory_space<semaphore_mem>>)
        %dma_wait3A_289 = arith.constant 0 : i32
        %dma_wait3A_290 = arith.constant 0 : i32
        %dma_wait3A_291 = tpu.memref_slice %arg7[%dma_wait3A_289, %dma_wait3A_290] : memref<104x128xf32, #tpu.memory_space<vmem>> -> memref<104x128xf32, #tpu.memory_space<vmem>>
        %dma_wait3A_292 = arith.constant 0 : i32
        %dma_wait3A_293 = arith.constant 0 : i32
        %dma_wait3A_294 = tpu.memref_slice %arg13[%dma_wait3A_292, %dma_wait3A_293] : memref<200x128xf32, #tpu.memory_space<vmem_shared>> -> memref<104x128xf32, #tpu.memory_space<vmem_shared>>
        %dma_wait3A_295 = arith.constant 0 : i32
        %dma_wait3A_296 = arith.constant 0 : i32
        %dma_wait3A_297 = tpu.memref_slice %arg7[%dma_wait3A_295, %dma_wait3A_296] : memref<104x128xf32, #tpu.memory_space<vmem>> -> memref<104x128xf32, #tpu.memory_space<vmem>>
        %dma_wait3A_298 = arith.constant 0 : i32
        %dma_wait3A_299 = arith.constant 0 : i32
        %dma_wait3A_300 = tpu.memref_slice %arg13[%dma_wait3A_298, %dma_wait3A_299] : memref<200x128xf32, #tpu.memory_space<vmem_shared>> -> memref<104x128xf32, #tpu.memory_space<vmem_shared>>
        tpu.wait_dma2 semaphore(%arg15 : memref<!tpu.dma_semaphore, #tpu.memory_space<semaphore_mem>>) src(%dma_wait3A_300 : memref<104x128xf32, #tpu.memory_space<vmem_shared>>) dst(%dma_wait3A_297 : memref<104x128xf32, #tpu.memory_space<vmem>>)
        %jit3A_301 = arith.constant 2 : i32
        %div3A_302 = arith.divsi %add3A_50, %jit3A_301 : i32
        %sign3A_303 = arith.constant 0 : i32
        %sign3A_304 = arith.cmpi sgt, %add3A_50, %sign3A_303 : i32
        %sign3A_305 = arith.extui %sign3A_304 : i1 to i32
        %sign3A_306 = arith.constant 0 : i32
        %sign3A_307 = arith.cmpi slt, %add3A_50, %sign3A_306 : i32
        %sign3A_308 = arith.extui %sign3A_307 : i1 to i32
        %sign3A_309 = arith.subi %sign3A_305, %sign3A_308 : i32
        %sign3A_310 = arith.constant 0 : i32
        %sign3A_311 = arith.cmpi sgt, %jit3A_301, %sign3A_310 : i32
        %sign3A_312 = arith.extui %sign3A_311 : i1 to i32
        %sign3A_313 = arith.constant 0 : i32
        %sign3A_314 = arith.cmpi slt, %jit3A_301, %sign3A_313 : i32
        %sign3A_315 = arith.extui %sign3A_314 : i1 to i32
        %sign3A_316 = arith.subi %sign3A_312, %sign3A_315 : i32
        %ne3A_317 = arith.cmpi ne, %sign3A_309, %sign3A_316 : i32
        %rem3A_318 = arith.remsi %add3A_50, %jit3A_301 : i32
        %ne3A_319 = arith.constant 0 : i32
        %ne3A_320 = arith.cmpi ne, %rem3A_318, %ne3A_319 : i32
        %and3A_321 = arith.andi %ne3A_317, %ne3A_320 : i1
        %sub3A_322 = arith.constant 1 : i32
        %sub3A_323 = arith.subi %div3A_302, %sub3A_322 : i32
        %select_n3A_324 = arith.select %and3A_321, %sub3A_323, %div3A_302 : i32
        %mul3A_325 = arith.constant 200 : i32
        %mul3A_326 = arith.muli %select_n3A_324, %mul3A_325 : i32
        %add3A_327 = arith.constant 0 : i32
        %add3A_328 = arith.addi %mul3A_326, %add3A_327 : i32
        %multiple_of3A_329 = tpu.assume_multiple %add3A_328, 8 : i32
        %dma_start3A_330 = arith.constant 0 : i32
        %dma_start3A_331 = arith.constant 0 : i32
        %dma_start3A_332 = tpu.memref_slice %arg7[%dma_start3A_330, %dma_start3A_331] : memref<104x128xf32, #tpu.memory_space<vmem>> -> memref<104x128xf32, #tpu.memory_space<vmem>>
        %dma_start3A_333 = tpu.memref_slice %arg6[%multiple_of3A_329] : memref<6400xi32, #tpu.memory_space<vmem>> -> memref<104xi32, #tpu.memory_space<vmem>>
        %dma_start3A_334 = arith.constant 0 : i32
        %dma_start3A_335 = arith.constant 0 : i32
        %dma_start3A_336 = tpu.memref_slice %arg3[%dma_start3A_334, %dma_start3A_335] : memref<100000x128xf32, #tpu.memory_space<hbm>> -> memref<100000x128xf32, #tpu.memory_space<hbm>>
        tpu.enqueue_indirect_dma source(%dma_start3A_336 : memref<100000x128xf32, #tpu.memory_space<hbm>>) target(%dma_start3A_332 : memref<104x128xf32, #tpu.memory_space<vmem>>) offsets(%dma_start3A_333 : memref<104xi32, #tpu.memory_space<vmem>>) semaphore(%arg21 : memref<!tpu.dma_semaphore, #tpu.memory_space<semaphore_mem>>) {add = true}
      } else {
      }
      %add3A_80 = arith.constant 1 : i32
      %add3A_81 = arith.addi %add3A_48, %add3A_80 : i32
      %sub3A_82 = arith.constant 4 : i32
      %sub3A_83 = arith.subi %add3A_81, %sub3A_82 : i32
      %ge3A_84 = arith.constant 0 : i32
      %ge3A_85 = arith.cmpi sge, %sub3A_83, %ge3A_84 : i32
      %sub3A_86 = arith.constant 4 : i32
      %sub3A_87 = arith.subi %add3A_81, %sub3A_86 : i32
      %lt3A_88 = arith.constant 64 : i32
      %lt3A_89 = arith.cmpi slt, %sub3A_87, %lt3A_88 : i32
      %and3A_90 = arith.andi %ge3A_85, %lt3A_89 : i1
      %convert_element_type3A_91 = arith.extui %and3A_90 : i1 to i32
      %cond3A_92 = arith.constant 0 : i32
      %cond3A_93 = arith.cmpi ne, %convert_element_type3A_91, %cond3A_92 : i32
      scf.if %cond3A_93 {
        %sub3A_255 = arith.constant 4 : i32
        %sub3A_256 = arith.subi %add3A_81, %sub3A_255 : i32
        %jit3A = arith.constant 2 : i32
        %div3A = arith.divsi %sub3A_256, %jit3A : i32
        %sign3A = arith.constant 0 : i32
        %sign3A_257 = arith.cmpi sgt, %sub3A_256, %sign3A : i32
        %sign3A_258 = arith.extui %sign3A_257 : i1 to i32
        %sign3A_259 = arith.constant 0 : i32
        %sign3A_260 = arith.cmpi slt, %sub3A_256, %sign3A_259 : i32
        %sign3A_261 = arith.extui %sign3A_260 : i1 to i32
        %sign3A_262 = arith.subi %sign3A_258, %sign3A_261 : i32
        %sign3A_263 = arith.constant 0 : i32
        %sign3A_264 = arith.cmpi sgt, %jit3A, %sign3A_263 : i32
        %sign3A_265 = arith.extui %sign3A_264 : i1 to i32
        %sign3A_266 = arith.constant 0 : i32
        %sign3A_267 = arith.cmpi slt, %jit3A, %sign3A_266 : i32
        %sign3A_268 = arith.extui %sign3A_267 : i1 to i32
        %sign3A_269 = arith.subi %sign3A_265, %sign3A_268 : i32
        %ne3A = arith.cmpi ne, %sign3A_262, %sign3A_269 : i32
        %rem3A = arith.remsi %sub3A_256, %jit3A : i32
        %ne3A_270 = arith.constant 0 : i32
        %ne3A_271 = arith.cmpi ne, %rem3A, %ne3A_270 : i32
        %and3A_272 = arith.andi %ne3A, %ne3A_271 : i1
        %sub3A_273 = arith.constant 1 : i32
        %sub3A_274 = arith.subi %div3A, %sub3A_273 : i32
        %select_n3A = arith.select %and3A_272, %sub3A_274, %div3A : i32
        %mul3A_275 = arith.constant 200 : i32
        %mul3A_276 = arith.muli %select_n3A, %mul3A_275 : i32
        %add3A_277 = arith.constant 104 : i32
        %add3A_278 = arith.addi %mul3A_276, %add3A_277 : i32
        %multiple_of3A_279 = tpu.assume_multiple %add3A_278, 8 : i32
        %ge3A_280 = arith.constant 3 : i32
        %ge3A_281 = arith.cmpi sge, %sub3A_256, %ge3A_280 : i32
        %convert_element_type3A_282 = arith.extui %ge3A_281 : i1 to i32
        %cond3A_283 = arith.constant 0 : i32
        %cond3A_284 = arith.cmpi ne, %convert_element_type3A_282, %cond3A_283 : i32
        scf.if %cond3A_284 {
          %mul3A_337 = arith.constant 3 : i32
          %mul3A_338 = arith.muli %arg1, %mul3A_337 : i32
          %add3A_339 = arith.constant 0 : i32
          %add3A_340 = arith.addi %mul3A_338, %add3A_339 : i32
          %mul3A_341 = arith.constant 104 : i32
          %mul3A_342 = arith.muli %add3A_340, %mul3A_341 : i32
          %multiple_of3A_343 = tpu.assume_multiple %mul3A_342, 8 : i32
          %dma_wait3A_344 = arith.constant 0 : i32
          %dma_wait3A_345 = arith.constant 0 : i32
          %dma_wait3A_346 = tpu.memref_slice %arg5[%dma_wait3A_344, %dma_wait3A_345] : memref<204800x128xf32, #tpu.memory_space<hbm>> -> memref<104x128xf32, #tpu.memory_space<hbm>>
          %dma_wait3A_347 = arith.constant 0 : i32
          %dma_wait3A_348 = tpu.memref_slice %arg14[%multiple_of3A_343, %dma_wait3A_347] : memref<4992x128xf32, #tpu.memory_space<vmem_shared>> -> memref<104x128xf32, #tpu.memory_space<vmem_shared>>
          tpu.wait_dma2 semaphore(%arg30 : memref<!tpu.dma_semaphore, #tpu.memory_space<semaphore_mem>>) src(%dma_wait3A_348 : memref<104x128xf32, #tpu.memory_space<vmem_shared>>) dst(%dma_wait3A_346 : memref<104x128xf32, #tpu.memory_space<hbm>>)
        } else {
        }
        %jit3A_285 = arith.constant 2 : i32
        %div3A_286 = arith.divsi %sub3A_256, %jit3A_285 : i32
        %sign3A_287 = arith.constant 0 : i32
        %sign3A_288 = arith.cmpi sgt, %sub3A_256, %sign3A_287 : i32
        %sign3A_289 = arith.extui %sign3A_288 : i1 to i32
        %sign3A_290 = arith.constant 0 : i32
        %sign3A_291 = arith.cmpi slt, %sub3A_256, %sign3A_290 : i32
        %sign3A_292 = arith.extui %sign3A_291 : i1 to i32
        %sign3A_293 = arith.subi %sign3A_289, %sign3A_292 : i32
        %sign3A_294 = arith.constant 0 : i32
        %sign3A_295 = arith.cmpi sgt, %jit3A_285, %sign3A_294 : i32
        %sign3A_296 = arith.extui %sign3A_295 : i1 to i32
        %sign3A_297 = arith.constant 0 : i32
        %sign3A_298 = arith.cmpi slt, %jit3A_285, %sign3A_297 : i32
        %sign3A_299 = arith.extui %sign3A_298 : i1 to i32
        %sign3A_300 = arith.subi %sign3A_296, %sign3A_299 : i32
        %ne3A_301 = arith.cmpi ne, %sign3A_293, %sign3A_300 : i32
        %rem3A_302 = arith.remsi %sub3A_256, %jit3A_285 : i32
        %ne3A_303 = arith.constant 0 : i32
        %ne3A_304 = arith.cmpi ne, %rem3A_302, %ne3A_303 : i32
        %and3A_305 = arith.andi %ne3A_301, %ne3A_304 : i1
        %sub3A_306 = arith.constant 1 : i32
        %sub3A_307 = arith.subi %div3A_286, %sub3A_306 : i32
        %select_n3A_308 = arith.select %and3A_305, %sub3A_307, %div3A_286 : i32
        %mul3A_309 = arith.constant 200 : i32
        %mul3A_310 = arith.muli %select_n3A_308, %mul3A_309 : i32
        %add3A_311 = arith.constant 104 : i32
        %add3A_312 = arith.addi %mul3A_310, %add3A_311 : i32
        %multiple_of3A_313 = tpu.assume_multiple %add3A_312, 8 : i32
        %dma_wait3A_314 = arith.constant 0 : i32
        %dma_wait3A_315 = arith.constant 0 : i32
        %dma_wait3A_316 = tpu.memref_slice %arg10[%dma_wait3A_314, %dma_wait3A_315] : memref<104x128xf32, #tpu.memory_space<vmem>> -> memref<96x128xf32, #tpu.memory_space<vmem>>
        %dma_wait3A_317 = tpu.memref_slice %arg6[%multiple_of3A_313] : memref<6400xi32, #tpu.memory_space<vmem>> -> memref<96xi32, #tpu.memory_space<vmem>>
        %dma_wait3A_318 = arith.constant 0 : i32
        %dma_wait3A_319 = arith.constant 0 : i32
        %dma_wait3A_320 = tpu.memref_slice %arg3[%dma_wait3A_318, %dma_wait3A_319] : memref<100000x128xf32, #tpu.memory_space<hbm>> -> memref<100000x128xf32, #tpu.memory_space<hbm>>
        tpu.wait_indirect_dma semaphore(%arg24 : memref<!tpu.dma_semaphore, #tpu.memory_space<semaphore_mem>>) src(%dma_wait3A_320 : memref<100000x128xf32, #tpu.memory_space<hbm>>) dst(%dma_wait3A_316 : memref<96x128xf32, #tpu.memory_space<vmem>>)
        %mul3A_321 = arith.constant 3 : i32
        %mul3A_322 = arith.muli %arg1, %mul3A_321 : i32
        %add3A_323 = arith.constant 0 : i32
        %add3A_324 = arith.addi %mul3A_322, %add3A_323 : i32
        %mul3A_325 = arith.constant 104 : i32
        %mul3A_326 = arith.muli %add3A_324, %mul3A_325 : i32
        %multiple_of3A_327 = tpu.assume_multiple %mul3A_326, 8 : i32
        %dma_start3A = arith.constant 0 : i32
        %dma_start3A_328 = arith.constant 0 : i32
        %dma_start3A_329 = tpu.memref_slice %arg10[%dma_start3A, %dma_start3A_328] : memref<104x128xf32, #tpu.memory_space<vmem>> -> memref<96x128xf32, #tpu.memory_space<vmem>>
        %dma_start3A_330 = arith.constant 0 : i32
        %dma_start3A_331 = tpu.memref_slice %arg14[%multiple_of3A_327, %dma_start3A_330] : memref<4992x128xf32, #tpu.memory_space<vmem_shared>> -> memref<96x128xf32, #tpu.memory_space<vmem_shared>>
        %dma_start3A_332 = arith.constant 0 : i32
        %dma_start3A_333 = tpu.memref_slice %arg14[%multiple_of3A_327, %dma_start3A_332] : memref<4992x128xf32, #tpu.memory_space<vmem_shared>> -> memref<96x128xf32, #tpu.memory_space<vmem_shared>>
        %dma_start3A_334 = arith.constant 0 : i32
        %dma_start3A_335 = arith.constant 0 : i32
        %dma_start3A_336 = tpu.memref_slice %arg10[%dma_start3A_334, %dma_start3A_335] : memref<104x128xf32, #tpu.memory_space<vmem>> -> memref<96x128xf32, #tpu.memory_space<vmem>>
        tpu.enqueue_dma source(%dma_start3A_336 : memref<96x128xf32, #tpu.memory_space<vmem>>) target(%dma_start3A_333 : memref<96x128xf32, #tpu.memory_space<vmem_shared>>) target_semaphore(%arg27 : memref<!tpu.dma_semaphore, #tpu.memory_space<semaphore_mem>>)
      } else {
      }
      %sub3A_94 = arith.constant 4 : i32
      %sub3A_95 = arith.subi %add3A_81, %sub3A_94 : i32
      %sub3A_96 = arith.constant 2 : i32
      %sub3A_97 = arith.subi %sub3A_95, %sub3A_96 : i32
      %ge3A_98 = arith.constant 0 : i32
      %ge3A_99 = arith.cmpi sge, %sub3A_97, %ge3A_98 : i32
      %sub3A_100 = arith.constant 4 : i32
      %sub3A_101 = arith.subi %add3A_81, %sub3A_100 : i32
      %sub3A_102 = arith.constant 2 : i32
      %sub3A_103 = arith.subi %sub3A_101, %sub3A_102 : i32
      %lt3A_104 = arith.constant 64 : i32
      %lt3A_105 = arith.cmpi slt, %sub3A_103, %lt3A_104 : i32
      %and3A_106 = arith.andi %ge3A_99, %lt3A_105 : i1
      %convert_element_type3A_107 = arith.extui %and3A_106 : i1 to i32
      %cond3A_108 = arith.constant 0 : i32
      %cond3A_109 = arith.cmpi ne, %convert_element_type3A_107, %cond3A_108 : i32
      scf.if %cond3A_109 {
        %sub3A_255 = arith.constant 4 : i32
        %sub3A_256 = arith.subi %add3A_81, %sub3A_255 : i32
        %sub3A_257 = arith.constant 2 : i32
        %sub3A_258 = arith.subi %sub3A_256, %sub3A_257 : i32
        %jit3A = arith.constant 2 : i32
        %div3A = arith.divsi %sub3A_258, %jit3A : i32
        %sign3A = arith.constant 0 : i32
        %sign3A_259 = arith.cmpi sgt, %sub3A_258, %sign3A : i32
        %sign3A_260 = arith.extui %sign3A_259 : i1 to i32
        %sign3A_261 = arith.constant 0 : i32
        %sign3A_262 = arith.cmpi slt, %sub3A_258, %sign3A_261 : i32
        %sign3A_263 = arith.extui %sign3A_262 : i1 to i32
        %sign3A_264 = arith.subi %sign3A_260, %sign3A_263 : i32
        %sign3A_265 = arith.constant 0 : i32
        %sign3A_266 = arith.cmpi sgt, %jit3A, %sign3A_265 : i32
        %sign3A_267 = arith.extui %sign3A_266 : i1 to i32
        %sign3A_268 = arith.constant 0 : i32
        %sign3A_269 = arith.cmpi slt, %jit3A, %sign3A_268 : i32
        %sign3A_270 = arith.extui %sign3A_269 : i1 to i32
        %sign3A_271 = arith.subi %sign3A_267, %sign3A_270 : i32
        %ne3A = arith.cmpi ne, %sign3A_264, %sign3A_271 : i32
        %rem3A = arith.remsi %sub3A_258, %jit3A : i32
        %ne3A_272 = arith.constant 0 : i32
        %ne3A_273 = arith.cmpi ne, %rem3A, %ne3A_272 : i32
        %and3A_274 = arith.andi %ne3A, %ne3A_273 : i1
        %sub3A_275 = arith.constant 1 : i32
        %sub3A_276 = arith.subi %div3A, %sub3A_275 : i32
        %select_n3A = arith.select %and3A_274, %sub3A_276, %div3A : i32
        %mul3A_277 = arith.constant 200 : i32
        %mul3A_278 = arith.muli %select_n3A, %mul3A_277 : i32
        %add3A_279 = arith.constant 104 : i32
        %add3A_280 = arith.addi %mul3A_278, %add3A_279 : i32
        %multiple_of3A_281 = tpu.assume_multiple %add3A_280, 8 : i32
        %mul3A_282 = arith.constant 3 : i32
        %mul3A_283 = arith.muli %arg1, %mul3A_282 : i32
        %add3A_284 = arith.constant 1 : i32
        %add3A_285 = arith.addi %mul3A_283, %add3A_284 : i32
        %mul3A_286 = arith.constant 104 : i32
        %mul3A_287 = arith.muli %add3A_285, %mul3A_286 : i32
        %multiple_of3A_288 = tpu.assume_multiple %mul3A_287, 8 : i32
        %dma_wait3A_289 = arith.constant 0 : i32
        %dma_wait3A_290 = arith.constant 0 : i32
        %dma_wait3A_291 = tpu.memref_slice %arg8[%dma_wait3A_289, %dma_wait3A_290] : memref<104x128xf32, #tpu.memory_space<vmem>> -> memref<96x128xf32, #tpu.memory_space<vmem>>
        %dma_wait3A_292 = arith.constant 0 : i32
        %dma_wait3A_293 = tpu.memref_slice %arg14[%multiple_of3A_288, %dma_wait3A_292] : memref<4992x128xf32, #tpu.memory_space<vmem_shared>> -> memref<96x128xf32, #tpu.memory_space<vmem_shared>>
        %dma_wait3A_294 = arith.constant 0 : i32
        %dma_wait3A_295 = tpu.memref_slice %arg14[%multiple_of3A_288, %dma_wait3A_294] : memref<4992x128xf32, #tpu.memory_space<vmem_shared>> -> memref<96x128xf32, #tpu.memory_space<vmem_shared>>
        %dma_wait3A_296 = arith.constant 0 : i32
        %dma_wait3A_297 = arith.constant 0 : i32
        %dma_wait3A_298 = tpu.memref_slice %arg8[%dma_wait3A_296, %dma_wait3A_297] : memref<104x128xf32, #tpu.memory_space<vmem>> -> memref<96x128xf32, #tpu.memory_space<vmem>>
        tpu.wait_dma2 semaphore(%arg28 : memref<!tpu.dma_semaphore, #tpu.memory_space<semaphore_mem>>) src(%dma_wait3A_298 : memref<96x128xf32, #tpu.memory_space<vmem>>) dst(%dma_wait3A_295 : memref<96x128xf32, #tpu.memory_space<vmem_shared>>)
        %mul3A_299 = arith.constant 3 : i32
        %mul3A_300 = arith.muli %arg1, %mul3A_299 : i32
        %add3A_301 = arith.constant 1 : i32
        %add3A_302 = arith.addi %mul3A_300, %add3A_301 : i32
        %mul3A_303 = arith.constant 104 : i32
        %mul3A_304 = arith.muli %add3A_302, %mul3A_303 : i32
        %multiple_of3A_305 = tpu.assume_multiple %mul3A_304, 8 : i32
        %mul3A_306 = arith.constant 6400 : i32
        %mul3A_307 = arith.muli %add3A, %mul3A_306 : i32
        %multiple_of3A_308 = tpu.assume_multiple %mul3A_307, 8 : i32
        %add3A_309 = arith.addi %multiple_of3A_308, %multiple_of3A_281 : i32
        %dma_start3A = arith.constant 0 : i32
        %dma_start3A_310 = tpu.memref_slice %arg5[%add3A_309, %dma_start3A] : memref<204800x128xf32, #tpu.memory_space<hbm>> -> memref<96x128xf32, #tpu.memory_space<hbm>>
        %dma_start3A_311 = arith.constant 0 : i32
        %dma_start3A_312 = tpu.memref_slice %arg14[%multiple_of3A_305, %dma_start3A_311] : memref<4992x128xf32, #tpu.memory_space<vmem_shared>> -> memref<96x128xf32, #tpu.memory_space<vmem_shared>>
        tpu.enqueue_dma source(%dma_start3A_312 : memref<96x128xf32, #tpu.memory_space<vmem_shared>>) target(%dma_start3A_310 : memref<96x128xf32, #tpu.memory_space<hbm>>) target_semaphore(%arg31 : memref<!tpu.dma_semaphore, #tpu.memory_space<semaphore_mem>>)
      } else {
      }
      %lt3A_110 = arith.constant 64 : i32
      %lt3A_111 = arith.cmpi slt, %add3A_81, %lt3A_110 : i32
      %convert_element_type3A_112 = arith.extui %lt3A_111 : i1 to i32
      %cond3A_113 = arith.constant 0 : i32
      %cond3A_114 = arith.cmpi ne, %convert_element_type3A_112, %cond3A_113 : i32
      scf.if %cond3A_114 {
        %jit3A = arith.constant 2 : i32
        %div3A = arith.divsi %add3A_81, %jit3A : i32
        %sign3A = arith.constant 0 : i32
        %sign3A_255 = arith.cmpi sgt, %add3A_81, %sign3A : i32
        %sign3A_256 = arith.extui %sign3A_255 : i1 to i32
        %sign3A_257 = arith.constant 0 : i32
        %sign3A_258 = arith.cmpi slt, %add3A_81, %sign3A_257 : i32
        %sign3A_259 = arith.extui %sign3A_258 : i1 to i32
        %sign3A_260 = arith.subi %sign3A_256, %sign3A_259 : i32
        %sign3A_261 = arith.constant 0 : i32
        %sign3A_262 = arith.cmpi sgt, %jit3A, %sign3A_261 : i32
        %sign3A_263 = arith.extui %sign3A_262 : i1 to i32
        %sign3A_264 = arith.constant 0 : i32
        %sign3A_265 = arith.cmpi slt, %jit3A, %sign3A_264 : i32
        %sign3A_266 = arith.extui %sign3A_265 : i1 to i32
        %sign3A_267 = arith.subi %sign3A_263, %sign3A_266 : i32
        %ne3A = arith.cmpi ne, %sign3A_260, %sign3A_267 : i32
        %rem3A = arith.remsi %add3A_81, %jit3A : i32
        %ne3A_268 = arith.constant 0 : i32
        %ne3A_269 = arith.cmpi ne, %rem3A, %ne3A_268 : i32
        %and3A_270 = arith.andi %ne3A, %ne3A_269 : i1
        %sub3A_271 = arith.constant 1 : i32
        %sub3A_272 = arith.subi %div3A, %sub3A_271 : i32
        %select_n3A = arith.select %and3A_270, %sub3A_272, %div3A : i32
        %mul3A_273 = arith.constant 200 : i32
        %mul3A_274 = arith.muli %select_n3A, %mul3A_273 : i32
        %add3A_275 = arith.constant 104 : i32
        %add3A_276 = arith.addi %mul3A_274, %add3A_275 : i32
        %multiple_of3A_277 = tpu.assume_multiple %add3A_276, 8 : i32
        %dma_start3A = arith.constant 0 : i32
        %dma_start3A_278 = arith.constant 0 : i32
        %dma_start3A_279 = tpu.memref_slice %arg8[%dma_start3A, %dma_start3A_278] : memref<104x128xf32, #tpu.memory_space<vmem>> -> memref<96x128xf32, #tpu.memory_space<vmem>>
        %dma_start3A_280 = arith.constant 104 : i32
        %dma_start3A_281 = arith.constant 0 : i32
        %dma_start3A_282 = tpu.memref_slice %arg13[%dma_start3A_280, %dma_start3A_281] : memref<200x128xf32, #tpu.memory_space<vmem_shared>> -> memref<96x128xf32, #tpu.memory_space<vmem_shared>>
        %dma_start3A_283 = arith.constant 0 : i32
        %dma_start3A_284 = arith.constant 0 : i32
        %dma_start3A_285 = tpu.memref_slice %arg8[%dma_start3A_283, %dma_start3A_284] : memref<104x128xf32, #tpu.memory_space<vmem>> -> memref<96x128xf32, #tpu.memory_space<vmem>>
        %dma_start3A_286 = arith.constant 104 : i32
        %dma_start3A_287 = arith.constant 0 : i32
        %dma_start3A_288 = tpu.memref_slice %arg13[%dma_start3A_286, %dma_start3A_287] : memref<200x128xf32, #tpu.memory_space<vmem_shared>> -> memref<96x128xf32, #tpu.memory_space<vmem_shared>>
        tpu.enqueue_dma source(%dma_start3A_288 : memref<96x128xf32, #tpu.memory_space<vmem_shared>>) target(%dma_start3A_285 : memref<96x128xf32, #tpu.memory_space<vmem>>) target_semaphore(%arg16 : memref<!tpu.dma_semaphore, #tpu.memory_space<semaphore_mem>>)
        %dma_wait3A_289 = arith.constant 0 : i32
        %dma_wait3A_290 = arith.constant 0 : i32
        %dma_wait3A_291 = tpu.memref_slice %arg8[%dma_wait3A_289, %dma_wait3A_290] : memref<104x128xf32, #tpu.memory_space<vmem>> -> memref<96x128xf32, #tpu.memory_space<vmem>>
        %dma_wait3A_292 = arith.constant 104 : i32
        %dma_wait3A_293 = arith.constant 0 : i32
        %dma_wait3A_294 = tpu.memref_slice %arg13[%dma_wait3A_292, %dma_wait3A_293] : memref<200x128xf32, #tpu.memory_space<vmem_shared>> -> memref<96x128xf32, #tpu.memory_space<vmem_shared>>
        %dma_wait3A_295 = arith.constant 0 : i32
        %dma_wait3A_296 = arith.constant 0 : i32
        %dma_wait3A_297 = tpu.memref_slice %arg8[%dma_wait3A_295, %dma_wait3A_296] : memref<104x128xf32, #tpu.memory_space<vmem>> -> memref<96x128xf32, #tpu.memory_space<vmem>>
        %dma_wait3A_298 = arith.constant 104 : i32
        %dma_wait3A_299 = arith.constant 0 : i32
        %dma_wait3A_300 = tpu.memref_slice %arg13[%dma_wait3A_298, %dma_wait3A_299] : memref<200x128xf32, #tpu.memory_space<vmem_shared>> -> memref<96x128xf32, #tpu.memory_space<vmem_shared>>
        tpu.wait_dma2 semaphore(%arg16 : memref<!tpu.dma_semaphore, #tpu.memory_space<semaphore_mem>>) src(%dma_wait3A_300 : memref<96x128xf32, #tpu.memory_space<vmem_shared>>) dst(%dma_wait3A_297 : memref<96x128xf32, #tpu.memory_space<vmem>>)
        %jit3A_301 = arith.constant 2 : i32
        %div3A_302 = arith.divsi %add3A_81, %jit3A_301 : i32
        %sign3A_303 = arith.constant 0 : i32
        %sign3A_304 = arith.cmpi sgt, %add3A_81, %sign3A_303 : i32
        %sign3A_305 = arith.extui %sign3A_304 : i1 to i32
        %sign3A_306 = arith.constant 0 : i32
        %sign3A_307 = arith.cmpi slt, %add3A_81, %sign3A_306 : i32
        %sign3A_308 = arith.extui %sign3A_307 : i1 to i32
        %sign3A_309 = arith.subi %sign3A_305, %sign3A_308 : i32
        %sign3A_310 = arith.constant 0 : i32
        %sign3A_311 = arith.cmpi sgt, %jit3A_301, %sign3A_310 : i32
        %sign3A_312 = arith.extui %sign3A_311 : i1 to i32
        %sign3A_313 = arith.constant 0 : i32
        %sign3A_314 = arith.cmpi slt, %jit3A_301, %sign3A_313 : i32
        %sign3A_315 = arith.extui %sign3A_314 : i1 to i32
        %sign3A_316 = arith.subi %sign3A_312, %sign3A_315 : i32
        %ne3A_317 = arith.cmpi ne, %sign3A_309, %sign3A_316 : i32
        %rem3A_318 = arith.remsi %add3A_81, %jit3A_301 : i32
        %ne3A_319 = arith.constant 0 : i32
        %ne3A_320 = arith.cmpi ne, %rem3A_318, %ne3A_319 : i32
        %and3A_321 = arith.andi %ne3A_317, %ne3A_320 : i1
        %sub3A_322 = arith.constant 1 : i32
        %sub3A_323 = arith.subi %div3A_302, %sub3A_322 : i32
        %select_n3A_324 = arith.select %and3A_321, %sub3A_323, %div3A_302 : i32
        %mul3A_325 = arith.constant 200 : i32
        %mul3A_326 = arith.muli %select_n3A_324, %mul3A_325 : i32
        %add3A_327 = arith.constant 104 : i32
        %add3A_328 = arith.addi %mul3A_326, %add3A_327 : i32
        %multiple_of3A_329 = tpu.assume_multiple %add3A_328, 8 : i32
        %dma_start3A_330 = arith.constant 0 : i32
        %dma_start3A_331 = arith.constant 0 : i32
        %dma_start3A_332 = tpu.memref_slice %arg8[%dma_start3A_330, %dma_start3A_331] : memref<104x128xf32, #tpu.memory_space<vmem>> -> memref<96x128xf32, #tpu.memory_space<vmem>>
        %dma_start3A_333 = tpu.memref_slice %arg6[%multiple_of3A_329] : memref<6400xi32, #tpu.memory_space<vmem>> -> memref<96xi32, #tpu.memory_space<vmem>>
        %dma_start3A_334 = arith.constant 0 : i32
        %dma_start3A_335 = arith.constant 0 : i32
        %dma_start3A_336 = tpu.memref_slice %arg3[%dma_start3A_334, %dma_start3A_335] : memref<100000x128xf32, #tpu.memory_space<hbm>> -> memref<100000x128xf32, #tpu.memory_space<hbm>>
        tpu.enqueue_indirect_dma source(%dma_start3A_336 : memref<100000x128xf32, #tpu.memory_space<hbm>>) target(%dma_start3A_332 : memref<96x128xf32, #tpu.memory_space<vmem>>) offsets(%dma_start3A_333 : memref<96xi32, #tpu.memory_space<vmem>>) semaphore(%arg22 : memref<!tpu.dma_semaphore, #tpu.memory_space<semaphore_mem>>) {add = true}
      } else {
      }
      %add3A_115 = arith.constant 2 : i32
      %add3A_116 = arith.addi %add3A_48, %add3A_115 : i32
      %sub3A_117 = arith.constant 4 : i32
      %sub3A_118 = arith.subi %add3A_116, %sub3A_117 : i32
      %ge3A_119 = arith.constant 0 : i32
      %ge3A_120 = arith.cmpi sge, %sub3A_118, %ge3A_119 : i32
      %sub3A_121 = arith.constant 4 : i32
      %sub3A_122 = arith.subi %add3A_116, %sub3A_121 : i32
      %lt3A_123 = arith.constant 64 : i32
      %lt3A_124 = arith.cmpi slt, %sub3A_122, %lt3A_123 : i32
      %and3A_125 = arith.andi %ge3A_120, %lt3A_124 : i1
      %convert_element_type3A_126 = arith.extui %and3A_125 : i1 to i32
      %cond3A_127 = arith.constant 0 : i32
      %cond3A_128 = arith.cmpi ne, %convert_element_type3A_126, %cond3A_127 : i32
      scf.if %cond3A_128 {
        %sub3A_255 = arith.constant 4 : i32
        %sub3A_256 = arith.subi %add3A_116, %sub3A_255 : i32
        %jit3A = arith.constant 2 : i32
        %div3A = arith.divsi %sub3A_256, %jit3A : i32
        %sign3A = arith.constant 0 : i32
        %sign3A_257 = arith.cmpi sgt, %sub3A_256, %sign3A : i32
        %sign3A_258 = arith.extui %sign3A_257 : i1 to i32
        %sign3A_259 = arith.constant 0 : i32
        %sign3A_260 = arith.cmpi slt, %sub3A_256, %sign3A_259 : i32
        %sign3A_261 = arith.extui %sign3A_260 : i1 to i32
        %sign3A_262 = arith.subi %sign3A_258, %sign3A_261 : i32
        %sign3A_263 = arith.constant 0 : i32
        %sign3A_264 = arith.cmpi sgt, %jit3A, %sign3A_263 : i32
        %sign3A_265 = arith.extui %sign3A_264 : i1 to i32
        %sign3A_266 = arith.constant 0 : i32
        %sign3A_267 = arith.cmpi slt, %jit3A, %sign3A_266 : i32
        %sign3A_268 = arith.extui %sign3A_267 : i1 to i32
        %sign3A_269 = arith.subi %sign3A_265, %sign3A_268 : i32
        %ne3A = arith.cmpi ne, %sign3A_262, %sign3A_269 : i32
        %rem3A = arith.remsi %sub3A_256, %jit3A : i32
        %ne3A_270 = arith.constant 0 : i32
        %ne3A_271 = arith.cmpi ne, %rem3A, %ne3A_270 : i32
        %and3A_272 = arith.andi %ne3A, %ne3A_271 : i1
        %sub3A_273 = arith.constant 1 : i32
        %sub3A_274 = arith.subi %div3A, %sub3A_273 : i32
        %select_n3A = arith.select %and3A_272, %sub3A_274, %div3A : i32
        %mul3A_275 = arith.constant 200 : i32
        %mul3A_276 = arith.muli %select_n3A, %mul3A_275 : i32
        %add3A_277 = arith.constant 0 : i32
        %add3A_278 = arith.addi %mul3A_276, %add3A_277 : i32
        %multiple_of3A_279 = tpu.assume_multiple %add3A_278, 8 : i32
        %ge3A_280 = arith.constant 3 : i32
        %ge3A_281 = arith.cmpi sge, %sub3A_256, %ge3A_280 : i32
        %convert_element_type3A_282 = arith.extui %ge3A_281 : i1 to i32
        %cond3A_283 = arith.constant 0 : i32
        %cond3A_284 = arith.cmpi ne, %convert_element_type3A_282, %cond3A_283 : i32
        scf.if %cond3A_284 {
          %mul3A_337 = arith.constant 3 : i32
          %mul3A_338 = arith.muli %arg1, %mul3A_337 : i32
          %add3A_339 = arith.constant 1 : i32
          %add3A_340 = arith.addi %mul3A_338, %add3A_339 : i32
          %mul3A_341 = arith.constant 104 : i32
          %mul3A_342 = arith.muli %add3A_340, %mul3A_341 : i32
          %multiple_of3A_343 = tpu.assume_multiple %mul3A_342, 8 : i32
          %dma_wait3A_344 = arith.constant 0 : i32
          %dma_wait3A_345 = arith.constant 0 : i32
          %dma_wait3A_346 = tpu.memref_slice %arg5[%dma_wait3A_344, %dma_wait3A_345] : memref<204800x128xf32, #tpu.memory_space<hbm>> -> memref<96x128xf32, #tpu.memory_space<hbm>>
          %dma_wait3A_347 = arith.constant 0 : i32
          %dma_wait3A_348 = tpu.memref_slice %arg14[%multiple_of3A_343, %dma_wait3A_347] : memref<4992x128xf32, #tpu.memory_space<vmem_shared>> -> memref<96x128xf32, #tpu.memory_space<vmem_shared>>
          tpu.wait_dma2 semaphore(%arg31 : memref<!tpu.dma_semaphore, #tpu.memory_space<semaphore_mem>>) src(%dma_wait3A_348 : memref<96x128xf32, #tpu.memory_space<vmem_shared>>) dst(%dma_wait3A_346 : memref<96x128xf32, #tpu.memory_space<hbm>>)
        } else {
        }
        %jit3A_285 = arith.constant 2 : i32
        %div3A_286 = arith.divsi %sub3A_256, %jit3A_285 : i32
        %sign3A_287 = arith.constant 0 : i32
        %sign3A_288 = arith.cmpi sgt, %sub3A_256, %sign3A_287 : i32
        %sign3A_289 = arith.extui %sign3A_288 : i1 to i32
        %sign3A_290 = arith.constant 0 : i32
        %sign3A_291 = arith.cmpi slt, %sub3A_256, %sign3A_290 : i32
        %sign3A_292 = arith.extui %sign3A_291 : i1 to i32
        %sign3A_293 = arith.subi %sign3A_289, %sign3A_292 : i32
        %sign3A_294 = arith.constant 0 : i32
        %sign3A_295 = arith.cmpi sgt, %jit3A_285, %sign3A_294 : i32
        %sign3A_296 = arith.extui %sign3A_295 : i1 to i32
        %sign3A_297 = arith.constant 0 : i32
        %sign3A_298 = arith.cmpi slt, %jit3A_285, %sign3A_297 : i32
        %sign3A_299 = arith.extui %sign3A_298 : i1 to i32
        %sign3A_300 = arith.subi %sign3A_296, %sign3A_299 : i32
        %ne3A_301 = arith.cmpi ne, %sign3A_293, %sign3A_300 : i32
        %rem3A_302 = arith.remsi %sub3A_256, %jit3A_285 : i32
        %ne3A_303 = arith.constant 0 : i32
        %ne3A_304 = arith.cmpi ne, %rem3A_302, %ne3A_303 : i32
        %and3A_305 = arith.andi %ne3A_301, %ne3A_304 : i1
        %sub3A_306 = arith.constant 1 : i32
        %sub3A_307 = arith.subi %div3A_286, %sub3A_306 : i32
        %select_n3A_308 = arith.select %and3A_305, %sub3A_307, %div3A_286 : i32
        %mul3A_309 = arith.constant 200 : i32
        %mul3A_310 = arith.muli %select_n3A_308, %mul3A_309 : i32
        %add3A_311 = arith.constant 0 : i32
        %add3A_312 = arith.addi %mul3A_310, %add3A_311 : i32
        %multiple_of3A_313 = tpu.assume_multiple %add3A_312, 8 : i32
        %dma_wait3A_314 = arith.constant 0 : i32
        %dma_wait3A_315 = arith.constant 0 : i32
        %dma_wait3A_316 = tpu.memref_slice %arg11[%dma_wait3A_314, %dma_wait3A_315] : memref<104x128xf32, #tpu.memory_space<vmem>> -> memref<104x128xf32, #tpu.memory_space<vmem>>
        %dma_wait3A_317 = tpu.memref_slice %arg6[%multiple_of3A_313] : memref<6400xi32, #tpu.memory_space<vmem>> -> memref<104xi32, #tpu.memory_space<vmem>>
        %dma_wait3A_318 = arith.constant 0 : i32
        %dma_wait3A_319 = arith.constant 0 : i32
        %dma_wait3A_320 = tpu.memref_slice %arg3[%dma_wait3A_318, %dma_wait3A_319] : memref<100000x128xf32, #tpu.memory_space<hbm>> -> memref<100000x128xf32, #tpu.memory_space<hbm>>
        tpu.wait_indirect_dma semaphore(%arg25 : memref<!tpu.dma_semaphore, #tpu.memory_space<semaphore_mem>>) src(%dma_wait3A_320 : memref<100000x128xf32, #tpu.memory_space<hbm>>) dst(%dma_wait3A_316 : memref<104x128xf32, #tpu.memory_space<vmem>>)
        %mul3A_321 = arith.constant 3 : i32
        %mul3A_322 = arith.muli %arg1, %mul3A_321 : i32
        %add3A_323 = arith.constant 1 : i32
        %add3A_324 = arith.addi %mul3A_322, %add3A_323 : i32
        %mul3A_325 = arith.constant 104 : i32
        %mul3A_326 = arith.muli %add3A_324, %mul3A_325 : i32
        %multiple_of3A_327 = tpu.assume_multiple %mul3A_326, 8 : i32
        %dma_start3A = arith.constant 0 : i32
        %dma_start3A_328 = arith.constant 0 : i32
        %dma_start3A_329 = tpu.memref_slice %arg11[%dma_start3A, %dma_start3A_328] : memref<104x128xf32, #tpu.memory_space<vmem>> -> memref<104x128xf32, #tpu.memory_space<vmem>>
        %dma_start3A_330 = arith.constant 0 : i32
        %dma_start3A_331 = tpu.memref_slice %arg14[%multiple_of3A_327, %dma_start3A_330] : memref<4992x128xf32, #tpu.memory_space<vmem_shared>> -> memref<104x128xf32, #tpu.memory_space<vmem_shared>>
        %dma_start3A_332 = arith.constant 0 : i32
        %dma_start3A_333 = tpu.memref_slice %arg14[%multiple_of3A_327, %dma_start3A_332] : memref<4992x128xf32, #tpu.memory_space<vmem_shared>> -> memref<104x128xf32, #tpu.memory_space<vmem_shared>>
        %dma_start3A_334 = arith.constant 0 : i32
        %dma_start3A_335 = arith.constant 0 : i32
        %dma_start3A_336 = tpu.memref_slice %arg11[%dma_start3A_334, %dma_start3A_335] : memref<104x128xf32, #tpu.memory_space<vmem>> -> memref<104x128xf32, #tpu.memory_space<vmem>>
        tpu.enqueue_dma source(%dma_start3A_336 : memref<104x128xf32, #tpu.memory_space<vmem>>) target(%dma_start3A_333 : memref<104x128xf32, #tpu.memory_space<vmem_shared>>) target_semaphore(%arg28 : memref<!tpu.dma_semaphore, #tpu.memory_space<semaphore_mem>>)
      } else {
      }
      %sub3A_129 = arith.constant 4 : i32
      %sub3A_130 = arith.subi %add3A_116, %sub3A_129 : i32
      %sub3A_131 = arith.constant 2 : i32
      %sub3A_132 = arith.subi %sub3A_130, %sub3A_131 : i32
      %ge3A_133 = arith.constant 0 : i32
      %ge3A_134 = arith.cmpi sge, %sub3A_132, %ge3A_133 : i32
      %sub3A_135 = arith.constant 4 : i32
      %sub3A_136 = arith.subi %add3A_116, %sub3A_135 : i32
      %sub3A_137 = arith.constant 2 : i32
      %sub3A_138 = arith.subi %sub3A_136, %sub3A_137 : i32
      %lt3A_139 = arith.constant 64 : i32
      %lt3A_140 = arith.cmpi slt, %sub3A_138, %lt3A_139 : i32
      %and3A_141 = arith.andi %ge3A_134, %lt3A_140 : i1
      %convert_element_type3A_142 = arith.extui %and3A_141 : i1 to i32
      %cond3A_143 = arith.constant 0 : i32
      %cond3A_144 = arith.cmpi ne, %convert_element_type3A_142, %cond3A_143 : i32
      scf.if %cond3A_144 {
        %sub3A_255 = arith.constant 4 : i32
        %sub3A_256 = arith.subi %add3A_116, %sub3A_255 : i32
        %sub3A_257 = arith.constant 2 : i32
        %sub3A_258 = arith.subi %sub3A_256, %sub3A_257 : i32
        %jit3A = arith.constant 2 : i32
        %div3A = arith.divsi %sub3A_258, %jit3A : i32
        %sign3A = arith.constant 0 : i32
        %sign3A_259 = arith.cmpi sgt, %sub3A_258, %sign3A : i32
        %sign3A_260 = arith.extui %sign3A_259 : i1 to i32
        %sign3A_261 = arith.constant 0 : i32
        %sign3A_262 = arith.cmpi slt, %sub3A_258, %sign3A_261 : i32
        %sign3A_263 = arith.extui %sign3A_262 : i1 to i32
        %sign3A_264 = arith.subi %sign3A_260, %sign3A_263 : i32
        %sign3A_265 = arith.constant 0 : i32
        %sign3A_266 = arith.cmpi sgt, %jit3A, %sign3A_265 : i32
        %sign3A_267 = arith.extui %sign3A_266 : i1 to i32
        %sign3A_268 = arith.constant 0 : i32
        %sign3A_269 = arith.cmpi slt, %jit3A, %sign3A_268 : i32
        %sign3A_270 = arith.extui %sign3A_269 : i1 to i32
        %sign3A_271 = arith.subi %sign3A_267, %sign3A_270 : i32
        %ne3A = arith.cmpi ne, %sign3A_264, %sign3A_271 : i32
        %rem3A = arith.remsi %sub3A_258, %jit3A : i32
        %ne3A_272 = arith.constant 0 : i32
        %ne3A_273 = arith.cmpi ne, %rem3A, %ne3A_272 : i32
        %and3A_274 = arith.andi %ne3A, %ne3A_273 : i1
        %sub3A_275 = arith.constant 1 : i32
        %sub3A_276 = arith.subi %div3A, %sub3A_275 : i32
        %select_n3A = arith.select %and3A_274, %sub3A_276, %div3A : i32
        %mul3A_277 = arith.constant 200 : i32
        %mul3A_278 = arith.muli %select_n3A, %mul3A_277 : i32
        %add3A_279 = arith.constant 0 : i32
        %add3A_280 = arith.addi %mul3A_278, %add3A_279 : i32
        %multiple_of3A_281 = tpu.assume_multiple %add3A_280, 8 : i32
        %mul3A_282 = arith.constant 3 : i32
        %mul3A_283 = arith.muli %arg1, %mul3A_282 : i32
        %add3A_284 = arith.constant 2 : i32
        %add3A_285 = arith.addi %mul3A_283, %add3A_284 : i32
        %mul3A_286 = arith.constant 104 : i32
        %mul3A_287 = arith.muli %add3A_285, %mul3A_286 : i32
        %multiple_of3A_288 = tpu.assume_multiple %mul3A_287, 8 : i32
        %dma_wait3A_289 = arith.constant 0 : i32
        %dma_wait3A_290 = arith.constant 0 : i32
        %dma_wait3A_291 = tpu.memref_slice %arg9[%dma_wait3A_289, %dma_wait3A_290] : memref<104x128xf32, #tpu.memory_space<vmem>> -> memref<104x128xf32, #tpu.memory_space<vmem>>
        %dma_wait3A_292 = arith.constant 0 : i32
        %dma_wait3A_293 = tpu.memref_slice %arg14[%multiple_of3A_288, %dma_wait3A_292] : memref<4992x128xf32, #tpu.memory_space<vmem_shared>> -> memref<104x128xf32, #tpu.memory_space<vmem_shared>>
        %dma_wait3A_294 = arith.constant 0 : i32
        %dma_wait3A_295 = tpu.memref_slice %arg14[%multiple_of3A_288, %dma_wait3A_294] : memref<4992x128xf32, #tpu.memory_space<vmem_shared>> -> memref<104x128xf32, #tpu.memory_space<vmem_shared>>
        %dma_wait3A_296 = arith.constant 0 : i32
        %dma_wait3A_297 = arith.constant 0 : i32
        %dma_wait3A_298 = tpu.memref_slice %arg9[%dma_wait3A_296, %dma_wait3A_297] : memref<104x128xf32, #tpu.memory_space<vmem>> -> memref<104x128xf32, #tpu.memory_space<vmem>>
        tpu.wait_dma2 semaphore(%arg29 : memref<!tpu.dma_semaphore, #tpu.memory_space<semaphore_mem>>) src(%dma_wait3A_298 : memref<104x128xf32, #tpu.memory_space<vmem>>) dst(%dma_wait3A_295 : memref<104x128xf32, #tpu.memory_space<vmem_shared>>)
        %mul3A_299 = arith.constant 3 : i32
        %mul3A_300 = arith.muli %arg1, %mul3A_299 : i32
        %add3A_301 = arith.constant 2 : i32
        %add3A_302 = arith.addi %mul3A_300, %add3A_301 : i32
        %mul3A_303 = arith.constant 104 : i32
        %mul3A_304 = arith.muli %add3A_302, %mul3A_303 : i32
        %multiple_of3A_305 = tpu.assume_multiple %mul3A_304, 8 : i32
        %mul3A_306 = arith.constant 6400 : i32
        %mul3A_307 = arith.muli %add3A, %mul3A_306 : i32
        %multiple_of3A_308 = tpu.assume_multiple %mul3A_307, 8 : i32
        %add3A_309 = arith.addi %multiple_of3A_308, %multiple_of3A_281 : i32
        %dma_start3A = arith.constant 0 : i32
        %dma_start3A_310 = tpu.memref_slice %arg5[%add3A_309, %dma_start3A] : memref<204800x128xf32, #tpu.memory_space<hbm>> -> memref<104x128xf32, #tpu.memory_space<hbm>>
        %dma_start3A_311 = arith.constant 0 : i32
        %dma_start3A_312 = tpu.memref_slice %arg14[%multiple_of3A_305, %dma_start3A_311] : memref<4992x128xf32, #tpu.memory_space<vmem_shared>> -> memref<104x128xf32, #tpu.memory_space<vmem_shared>>
        tpu.enqueue_dma source(%dma_start3A_312 : memref<104x128xf32, #tpu.memory_space<vmem_shared>>) target(%dma_start3A_310 : memref<104x128xf32, #tpu.memory_space<hbm>>) target_semaphore(%arg32 : memref<!tpu.dma_semaphore, #tpu.memory_space<semaphore_mem>>)
      } else {
      }
      %lt3A_145 = arith.constant 64 : i32
      %lt3A_146 = arith.cmpi slt, %add3A_116, %lt3A_145 : i32
      %convert_element_type3A_147 = arith.extui %lt3A_146 : i1 to i32
      %cond3A_148 = arith.constant 0 : i32
      %cond3A_149 = arith.cmpi ne, %convert_element_type3A_147, %cond3A_148 : i32
      scf.if %cond3A_149 {
        %jit3A = arith.constant 2 : i32
        %div3A = arith.divsi %add3A_116, %jit3A : i32
        %sign3A = arith.constant 0 : i32
        %sign3A_255 = arith.cmpi sgt, %add3A_116, %sign3A : i32
        %sign3A_256 = arith.extui %sign3A_255 : i1 to i32
        %sign3A_257 = arith.constant 0 : i32
        %sign3A_258 = arith.cmpi slt, %add3A_116, %sign3A_257 : i32
        %sign3A_259 = arith.extui %sign3A_258 : i1 to i32
        %sign3A_260 = arith.subi %sign3A_256, %sign3A_259 : i32
        %sign3A_261 = arith.constant 0 : i32
        %sign3A_262 = arith.cmpi sgt, %jit3A, %sign3A_261 : i32
        %sign3A_263 = arith.extui %sign3A_262 : i1 to i32
        %sign3A_264 = arith.constant 0 : i32
        %sign3A_265 = arith.cmpi slt, %jit3A, %sign3A_264 : i32
        %sign3A_266 = arith.extui %sign3A_265 : i1 to i32
        %sign3A_267 = arith.subi %sign3A_263, %sign3A_266 : i32
        %ne3A = arith.cmpi ne, %sign3A_260, %sign3A_267 : i32
        %rem3A = arith.remsi %add3A_116, %jit3A : i32
        %ne3A_268 = arith.constant 0 : i32
        %ne3A_269 = arith.cmpi ne, %rem3A, %ne3A_268 : i32
        %and3A_270 = arith.andi %ne3A, %ne3A_269 : i1
        %sub3A_271 = arith.constant 1 : i32
        %sub3A_272 = arith.subi %div3A, %sub3A_271 : i32
        %select_n3A = arith.select %and3A_270, %sub3A_272, %div3A : i32
        %mul3A_273 = arith.constant 200 : i32
        %mul3A_274 = arith.muli %select_n3A, %mul3A_273 : i32
        %add3A_275 = arith.constant 0 : i32
        %add3A_276 = arith.addi %mul3A_274, %add3A_275 : i32
        %multiple_of3A_277 = tpu.assume_multiple %add3A_276, 8 : i32
        %dma_start3A = arith.constant 0 : i32
        %dma_start3A_278 = arith.constant 0 : i32
        %dma_start3A_279 = tpu.memref_slice %arg9[%dma_start3A, %dma_start3A_278] : memref<104x128xf32, #tpu.memory_space<vmem>> -> memref<104x128xf32, #tpu.memory_space<vmem>>
        %dma_start3A_280 = arith.constant 0 : i32
        %dma_start3A_281 = arith.constant 0 : i32
        %dma_start3A_282 = tpu.memref_slice %arg13[%dma_start3A_280, %dma_start3A_281] : memref<200x128xf32, #tpu.memory_space<vmem_shared>> -> memref<104x128xf32, #tpu.memory_space<vmem_shared>>
        %dma_start3A_283 = arith.constant 0 : i32
        %dma_start3A_284 = arith.constant 0 : i32
        %dma_start3A_285 = tpu.memref_slice %arg9[%dma_start3A_283, %dma_start3A_284] : memref<104x128xf32, #tpu.memory_space<vmem>> -> memref<104x128xf32, #tpu.memory_space<vmem>>
        %dma_start3A_286 = arith.constant 0 : i32
        %dma_start3A_287 = arith.constant 0 : i32
        %dma_start3A_288 = tpu.memref_slice %arg13[%dma_start3A_286, %dma_start3A_287] : memref<200x128xf32, #tpu.memory_space<vmem_shared>> -> memref<104x128xf32, #tpu.memory_space<vmem_shared>>
        tpu.enqueue_dma source(%dma_start3A_288 : memref<104x128xf32, #tpu.memory_space<vmem_shared>>) target(%dma_start3A_285 : memref<104x128xf32, #tpu.memory_space<vmem>>) target_semaphore(%arg17 : memref<!tpu.dma_semaphore, #tpu.memory_space<semaphore_mem>>)
        %dma_wait3A_289 = arith.constant 0 : i32
        %dma_wait3A_290 = arith.constant 0 : i32
        %dma_wait3A_291 = tpu.memref_slice %arg9[%dma_wait3A_289, %dma_wait3A_290] : memref<104x128xf32, #tpu.memory_space<vmem>> -> memref<104x128xf32, #tpu.memory_space<vmem>>
        %dma_wait3A_292 = arith.constant 0 : i32
        %dma_wait3A_293 = arith.constant 0 : i32
        %dma_wait3A_294 = tpu.memref_slice %arg13[%dma_wait3A_292, %dma_wait3A_293] : memref<200x128xf32, #tpu.memory_space<vmem_shared>> -> memref<104x128xf32, #tpu.memory_space<vmem_shared>>
        %dma_wait3A_295 = arith.constant 0 : i32
        %dma_wait3A_296 = arith.constant 0 : i32
        %dma_wait3A_297 = tpu.memref_slice %arg9[%dma_wait3A_295, %dma_wait3A_296] : memref<104x128xf32, #tpu.memory_space<vmem>> -> memref<104x128xf32, #tpu.memory_space<vmem>>
        %dma_wait3A_298 = arith.constant 0 : i32
        %dma_wait3A_299 = arith.constant 0 : i32
        %dma_wait3A_300 = tpu.memref_slice %arg13[%dma_wait3A_298, %dma_wait3A_299] : memref<200x128xf32, #tpu.memory_space<vmem_shared>> -> memref<104x128xf32, #tpu.memory_space<vmem_shared>>
        tpu.wait_dma2 semaphore(%arg17 : memref<!tpu.dma_semaphore, #tpu.memory_space<semaphore_mem>>) src(%dma_wait3A_300 : memref<104x128xf32, #tpu.memory_space<vmem_shared>>) dst(%dma_wait3A_297 : memref<104x128xf32, #tpu.memory_space<vmem>>)
        %jit3A_301 = arith.constant 2 : i32
        %div3A_302 = arith.divsi %add3A_116, %jit3A_301 : i32
        %sign3A_303 = arith.constant 0 : i32
        %sign3A_304 = arith.cmpi sgt, %add3A_116, %sign3A_303 : i32
        %sign3A_305 = arith.extui %sign3A_304 : i1 to i32
        %sign3A_306 = arith.constant 0 : i32
        %sign3A_307 = arith.cmpi slt, %add3A_116, %sign3A_306 : i32
        %sign3A_308 = arith.extui %sign3A_307 : i1 to i32
        %sign3A_309 = arith.subi %sign3A_305, %sign3A_308 : i32
        %sign3A_310 = arith.constant 0 : i32
        %sign3A_311 = arith.cmpi sgt, %jit3A_301, %sign3A_310 : i32
        %sign3A_312 = arith.extui %sign3A_311 : i1 to i32
        %sign3A_313 = arith.constant 0 : i32
        %sign3A_314 = arith.cmpi slt, %jit3A_301, %sign3A_313 : i32
        %sign3A_315 = arith.extui %sign3A_314 : i1 to i32
        %sign3A_316 = arith.subi %sign3A_312, %sign3A_315 : i32
        %ne3A_317 = arith.cmpi ne, %sign3A_309, %sign3A_316 : i32
        %rem3A_318 = arith.remsi %add3A_116, %jit3A_301 : i32
        %ne3A_319 = arith.constant 0 : i32
        %ne3A_320 = arith.cmpi ne, %rem3A_318, %ne3A_319 : i32
        %and3A_321 = arith.andi %ne3A_317, %ne3A_320 : i1
        %sub3A_322 = arith.constant 1 : i32
        %sub3A_323 = arith.subi %div3A_302, %sub3A_322 : i32
        %select_n3A_324 = arith.select %and3A_321, %sub3A_323, %div3A_302 : i32
        %mul3A_325 = arith.constant 200 : i32
        %mul3A_326 = arith.muli %select_n3A_324, %mul3A_325 : i32
        %add3A_327 = arith.constant 0 : i32
        %add3A_328 = arith.addi %mul3A_326, %add3A_327 : i32
        %multiple_of3A_329 = tpu.assume_multiple %add3A_328, 8 : i32
        %dma_start3A_330 = arith.constant 0 : i32
        %dma_start3A_331 = arith.constant 0 : i32
        %dma_start3A_332 = tpu.memref_slice %arg9[%dma_start3A_330, %dma_start3A_331] : memref<104x128xf32, #tpu.memory_space<vmem>> -> memref<104x128xf32, #tpu.memory_space<vmem>>
        %dma_start3A_333 = tpu.memref_slice %arg6[%multiple_of3A_329] : memref<6400xi32, #tpu.memory_space<vmem>> -> memref<104xi32, #tpu.memory_space<vmem>>
        %dma_start3A_334 = arith.constant 0 : i32
        %dma_start3A_335 = arith.constant 0 : i32
        %dma_start3A_336 = tpu.memref_slice %arg3[%dma_start3A_334, %dma_start3A_335] : memref<100000x128xf32, #tpu.memory_space<hbm>> -> memref<100000x128xf32, #tpu.memory_space<hbm>>
        tpu.enqueue_indirect_dma source(%dma_start3A_336 : memref<100000x128xf32, #tpu.memory_space<hbm>>) target(%dma_start3A_332 : memref<104x128xf32, #tpu.memory_space<vmem>>) offsets(%dma_start3A_333 : memref<104xi32, #tpu.memory_space<vmem>>) semaphore(%arg23 : memref<!tpu.dma_semaphore, #tpu.memory_space<semaphore_mem>>) {add = true}
      } else {
      }
      %add3A_150 = arith.constant 3 : i32
      %add3A_151 = arith.addi %add3A_48, %add3A_150 : i32
      %sub3A_152 = arith.constant 4 : i32
      %sub3A_153 = arith.subi %add3A_151, %sub3A_152 : i32
      %ge3A_154 = arith.constant 0 : i32
      %ge3A_155 = arith.cmpi sge, %sub3A_153, %ge3A_154 : i32
      %sub3A_156 = arith.constant 4 : i32
      %sub3A_157 = arith.subi %add3A_151, %sub3A_156 : i32
      %lt3A_158 = arith.constant 64 : i32
      %lt3A_159 = arith.cmpi slt, %sub3A_157, %lt3A_158 : i32
      %and3A_160 = arith.andi %ge3A_155, %lt3A_159 : i1
      %convert_element_type3A_161 = arith.extui %and3A_160 : i1 to i32
      %cond3A_162 = arith.constant 0 : i32
      %cond3A_163 = arith.cmpi ne, %convert_element_type3A_161, %cond3A_162 : i32
      scf.if %cond3A_163 {
        %sub3A_255 = arith.constant 4 : i32
        %sub3A_256 = arith.subi %add3A_151, %sub3A_255 : i32
        %jit3A = arith.constant 2 : i32
        %div3A = arith.divsi %sub3A_256, %jit3A : i32
        %sign3A = arith.constant 0 : i32
        %sign3A_257 = arith.cmpi sgt, %sub3A_256, %sign3A : i32
        %sign3A_258 = arith.extui %sign3A_257 : i1 to i32
        %sign3A_259 = arith.constant 0 : i32
        %sign3A_260 = arith.cmpi slt, %sub3A_256, %sign3A_259 : i32
        %sign3A_261 = arith.extui %sign3A_260 : i1 to i32
        %sign3A_262 = arith.subi %sign3A_258, %sign3A_261 : i32
        %sign3A_263 = arith.constant 0 : i32
        %sign3A_264 = arith.cmpi sgt, %jit3A, %sign3A_263 : i32
        %sign3A_265 = arith.extui %sign3A_264 : i1 to i32
        %sign3A_266 = arith.constant 0 : i32
        %sign3A_267 = arith.cmpi slt, %jit3A, %sign3A_266 : i32
        %sign3A_268 = arith.extui %sign3A_267 : i1 to i32
        %sign3A_269 = arith.subi %sign3A_265, %sign3A_268 : i32
        %ne3A = arith.cmpi ne, %sign3A_262, %sign3A_269 : i32
        %rem3A = arith.remsi %sub3A_256, %jit3A : i32
        %ne3A_270 = arith.constant 0 : i32
        %ne3A_271 = arith.cmpi ne, %rem3A, %ne3A_270 : i32
        %and3A_272 = arith.andi %ne3A, %ne3A_271 : i1
        %sub3A_273 = arith.constant 1 : i32
        %sub3A_274 = arith.subi %div3A, %sub3A_273 : i32
        %select_n3A = arith.select %and3A_272, %sub3A_274, %div3A : i32
        %mul3A_275 = arith.constant 200 : i32
        %mul3A_276 = arith.muli %select_n3A, %mul3A_275 : i32
        %add3A_277 = arith.constant 104 : i32
        %add3A_278 = arith.addi %mul3A_276, %add3A_277 : i32
        %multiple_of3A_279 = tpu.assume_multiple %add3A_278, 8 : i32
        %ge3A_280 = arith.constant 3 : i32
        %ge3A_281 = arith.cmpi sge, %sub3A_256, %ge3A_280 : i32
        %convert_element_type3A_282 = arith.extui %ge3A_281 : i1 to i32
        %cond3A_283 = arith.constant 0 : i32
        %cond3A_284 = arith.cmpi ne, %convert_element_type3A_282, %cond3A_283 : i32
        scf.if %cond3A_284 {
          %mul3A_337 = arith.constant 3 : i32
          %mul3A_338 = arith.muli %arg1, %mul3A_337 : i32
          %add3A_339 = arith.constant 2 : i32
          %add3A_340 = arith.addi %mul3A_338, %add3A_339 : i32
          %mul3A_341 = arith.constant 104 : i32
          %mul3A_342 = arith.muli %add3A_340, %mul3A_341 : i32
          %multiple_of3A_343 = tpu.assume_multiple %mul3A_342, 8 : i32
          %dma_wait3A_344 = arith.constant 0 : i32
          %dma_wait3A_345 = arith.constant 0 : i32
          %dma_wait3A_346 = tpu.memref_slice %arg5[%dma_wait3A_344, %dma_wait3A_345] : memref<204800x128xf32, #tpu.memory_space<hbm>> -> memref<104x128xf32, #tpu.memory_space<hbm>>
          %dma_wait3A_347 = arith.constant 0 : i32
          %dma_wait3A_348 = tpu.memref_slice %arg14[%multiple_of3A_343, %dma_wait3A_347] : memref<4992x128xf32, #tpu.memory_space<vmem_shared>> -> memref<104x128xf32, #tpu.memory_space<vmem_shared>>
          tpu.wait_dma2 semaphore(%arg32 : memref<!tpu.dma_semaphore, #tpu.memory_space<semaphore_mem>>) src(%dma_wait3A_348 : memref<104x128xf32, #tpu.memory_space<vmem_shared>>) dst(%dma_wait3A_346 : memref<104x128xf32, #tpu.memory_space<hbm>>)
        } else {
        }
        %jit3A_285 = arith.constant 2 : i32
        %div3A_286 = arith.divsi %sub3A_256, %jit3A_285 : i32
        %sign3A_287 = arith.constant 0 : i32
        %sign3A_288 = arith.cmpi sgt, %sub3A_256, %sign3A_287 : i32
        %sign3A_289 = arith.extui %sign3A_288 : i1 to i32
        %sign3A_290 = arith.constant 0 : i32
        %sign3A_291 = arith.cmpi slt, %sub3A_256, %sign3A_290 : i32
        %sign3A_292 = arith.extui %sign3A_291 : i1 to i32
        %sign3A_293 = arith.subi %sign3A_289, %sign3A_292 : i32
        %sign3A_294 = arith.constant 0 : i32
        %sign3A_295 = arith.cmpi sgt, %jit3A_285, %sign3A_294 : i32
        %sign3A_296 = arith.extui %sign3A_295 : i1 to i32
        %sign3A_297 = arith.constant 0 : i32
        %sign3A_298 = arith.cmpi slt, %jit3A_285, %sign3A_297 : i32
        %sign3A_299 = arith.extui %sign3A_298 : i1 to i32
        %sign3A_300 = arith.subi %sign3A_296, %sign3A_299 : i32
        %ne3A_301 = arith.cmpi ne, %sign3A_293, %sign3A_300 : i32
        %rem3A_302 = arith.remsi %sub3A_256, %jit3A_285 : i32
        %ne3A_303 = arith.constant 0 : i32
        %ne3A_304 = arith.cmpi ne, %rem3A_302, %ne3A_303 : i32
        %and3A_305 = arith.andi %ne3A_301, %ne3A_304 : i1
        %sub3A_306 = arith.constant 1 : i32
        %sub3A_307 = arith.subi %div3A_286, %sub3A_306 : i32
        %select_n3A_308 = arith.select %and3A_305, %sub3A_307, %div3A_286 : i32
        %mul3A_309 = arith.constant 200 : i32
        %mul3A_310 = arith.muli %select_n3A_308, %mul3A_309 : i32
        %add3A_311 = arith.constant 104 : i32
        %add3A_312 = arith.addi %mul3A_310, %add3A_311 : i32
        %multiple_of3A_313 = tpu.assume_multiple %add3A_312, 8 : i32
        %dma_wait3A_314 = arith.constant 0 : i32
        %dma_wait3A_315 = arith.constant 0 : i32
        %dma_wait3A_316 = tpu.memref_slice %arg12[%dma_wait3A_314, %dma_wait3A_315] : memref<104x128xf32, #tpu.memory_space<vmem>> -> memref<96x128xf32, #tpu.memory_space<vmem>>
        %dma_wait3A_317 = tpu.memref_slice %arg6[%multiple_of3A_313] : memref<6400xi32, #tpu.memory_space<vmem>> -> memref<96xi32, #tpu.memory_space<vmem>>
        %dma_wait3A_318 = arith.constant 0 : i32
        %dma_wait3A_319 = arith.constant 0 : i32
        %dma_wait3A_320 = tpu.memref_slice %arg3[%dma_wait3A_318, %dma_wait3A_319] : memref<100000x128xf32, #tpu.memory_space<hbm>> -> memref<100000x128xf32, #tpu.memory_space<hbm>>
        tpu.wait_indirect_dma semaphore(%arg26 : memref<!tpu.dma_semaphore, #tpu.memory_space<semaphore_mem>>) src(%dma_wait3A_320 : memref<100000x128xf32, #tpu.memory_space<hbm>>) dst(%dma_wait3A_316 : memref<96x128xf32, #tpu.memory_space<vmem>>)
        %mul3A_321 = arith.constant 3 : i32
        %mul3A_322 = arith.muli %arg1, %mul3A_321 : i32
        %add3A_323 = arith.constant 2 : i32
        %add3A_324 = arith.addi %mul3A_322, %add3A_323 : i32
        %mul3A_325 = arith.constant 104 : i32
        %mul3A_326 = arith.muli %add3A_324, %mul3A_325 : i32
        %multiple_of3A_327 = tpu.assume_multiple %mul3A_326, 8 : i32
        %dma_start3A = arith.constant 0 : i32
        %dma_start3A_328 = arith.constant 0 : i32
        %dma_start3A_329 = tpu.memref_slice %arg12[%dma_start3A, %dma_start3A_328] : memref<104x128xf32, #tpu.memory_space<vmem>> -> memref<96x128xf32, #tpu.memory_space<vmem>>
        %dma_start3A_330 = arith.constant 0 : i32
        %dma_start3A_331 = tpu.memref_slice %arg14[%multiple_of3A_327, %dma_start3A_330] : memref<4992x128xf32, #tpu.memory_space<vmem_shared>> -> memref<96x128xf32, #tpu.memory_space<vmem_shared>>
        %dma_start3A_332 = arith.constant 0 : i32
        %dma_start3A_333 = tpu.memref_slice %arg14[%multiple_of3A_327, %dma_start3A_332] : memref<4992x128xf32, #tpu.memory_space<vmem_shared>> -> memref<96x128xf32, #tpu.memory_space<vmem_shared>>
        %dma_start3A_334 = arith.constant 0 : i32
        %dma_start3A_335 = arith.constant 0 : i32
        %dma_start3A_336 = tpu.memref_slice %arg12[%dma_start3A_334, %dma_start3A_335] : memref<104x128xf32, #tpu.memory_space<vmem>> -> memref<96x128xf32, #tpu.memory_space<vmem>>
        tpu.enqueue_dma source(%dma_start3A_336 : memref<96x128xf32, #tpu.memory_space<vmem>>) target(%dma_start3A_333 : memref<96x128xf32, #tpu.memory_space<vmem_shared>>) target_semaphore(%arg29 : memref<!tpu.dma_semaphore, #tpu.memory_space<semaphore_mem>>)
      } else {
      }
      %sub3A_164 = arith.constant 4 : i32
      %sub3A_165 = arith.subi %add3A_151, %sub3A_164 : i32
      %sub3A_166 = arith.constant 2 : i32
      %sub3A_167 = arith.subi %sub3A_165, %sub3A_166 : i32
      %ge3A_168 = arith.constant 0 : i32
      %ge3A_169 = arith.cmpi sge, %sub3A_167, %ge3A_168 : i32
      %sub3A_170 = arith.constant 4 : i32
      %sub3A_171 = arith.subi %add3A_151, %sub3A_170 : i32
      %sub3A_172 = arith.constant 2 : i32
      %sub3A_173 = arith.subi %sub3A_171, %sub3A_172 : i32
      %lt3A_174 = arith.constant 64 : i32
      %lt3A_175 = arith.cmpi slt, %sub3A_173, %lt3A_174 : i32
      %and3A_176 = arith.andi %ge3A_169, %lt3A_175 : i1
      %convert_element_type3A_177 = arith.extui %and3A_176 : i1 to i32
      %cond3A_178 = arith.constant 0 : i32
      %cond3A_179 = arith.cmpi ne, %convert_element_type3A_177, %cond3A_178 : i32
      scf.if %cond3A_179 {
        %sub3A_255 = arith.constant 4 : i32
        %sub3A_256 = arith.subi %add3A_151, %sub3A_255 : i32
        %sub3A_257 = arith.constant 2 : i32
        %sub3A_258 = arith.subi %sub3A_256, %sub3A_257 : i32
        %jit3A = arith.constant 2 : i32
        %div3A = arith.divsi %sub3A_258, %jit3A : i32
        %sign3A = arith.constant 0 : i32
        %sign3A_259 = arith.cmpi sgt, %sub3A_258, %sign3A : i32
        %sign3A_260 = arith.extui %sign3A_259 : i1 to i32
        %sign3A_261 = arith.constant 0 : i32
        %sign3A_262 = arith.cmpi slt, %sub3A_258, %sign3A_261 : i32
        %sign3A_263 = arith.extui %sign3A_262 : i1 to i32
        %sign3A_264 = arith.subi %sign3A_260, %sign3A_263 : i32
        %sign3A_265 = arith.constant 0 : i32
        %sign3A_266 = arith.cmpi sgt, %jit3A, %sign3A_265 : i32
        %sign3A_267 = arith.extui %sign3A_266 : i1 to i32
        %sign3A_268 = arith.constant 0 : i32
        %sign3A_269 = arith.cmpi slt, %jit3A, %sign3A_268 : i32
        %sign3A_270 = arith.extui %sign3A_269 : i1 to i32
        %sign3A_271 = arith.subi %sign3A_267, %sign3A_270 : i32
        %ne3A = arith.cmpi ne, %sign3A_264, %sign3A_271 : i32
        %rem3A = arith.remsi %sub3A_258, %jit3A : i32
        %ne3A_272 = arith.constant 0 : i32
        %ne3A_273 = arith.cmpi ne, %rem3A, %ne3A_272 : i32
        %and3A_274 = arith.andi %ne3A, %ne3A_273 : i1
        %sub3A_275 = arith.constant 1 : i32
        %sub3A_276 = arith.subi %div3A, %sub3A_275 : i32
        %select_n3A = arith.select %and3A_274, %sub3A_276, %div3A : i32
        %mul3A_277 = arith.constant 200 : i32
        %mul3A_278 = arith.muli %select_n3A, %mul3A_277 : i32
        %add3A_279 = arith.constant 104 : i32
        %add3A_280 = arith.addi %mul3A_278, %add3A_279 : i32
        %multiple_of3A_281 = tpu.assume_multiple %add3A_280, 8 : i32
        %mul3A_282 = arith.constant 3 : i32
        %mul3A_283 = arith.muli %arg1, %mul3A_282 : i32
        %add3A_284 = arith.constant 0 : i32
        %add3A_285 = arith.addi %mul3A_283, %add3A_284 : i32
        %mul3A_286 = arith.constant 104 : i32
        %mul3A_287 = arith.muli %add3A_285, %mul3A_286 : i32
        %multiple_of3A_288 = tpu.assume_multiple %mul3A_287, 8 : i32
        %dma_wait3A_289 = arith.constant 0 : i32
        %dma_wait3A_290 = arith.constant 0 : i32
        %dma_wait3A_291 = tpu.memref_slice %arg10[%dma_wait3A_289, %dma_wait3A_290] : memref<104x128xf32, #tpu.memory_space<vmem>> -> memref<96x128xf32, #tpu.memory_space<vmem>>
        %dma_wait3A_292 = arith.constant 0 : i32
        %dma_wait3A_293 = tpu.memref_slice %arg14[%multiple_of3A_288, %dma_wait3A_292] : memref<4992x128xf32, #tpu.memory_space<vmem_shared>> -> memref<96x128xf32, #tpu.memory_space<vmem_shared>>
        %dma_wait3A_294 = arith.constant 0 : i32
        %dma_wait3A_295 = tpu.memref_slice %arg14[%multiple_of3A_288, %dma_wait3A_294] : memref<4992x128xf32, #tpu.memory_space<vmem_shared>> -> memref<96x128xf32, #tpu.memory_space<vmem_shared>>
        %dma_wait3A_296 = arith.constant 0 : i32
        %dma_wait3A_297 = arith.constant 0 : i32
        %dma_wait3A_298 = tpu.memref_slice %arg10[%dma_wait3A_296, %dma_wait3A_297] : memref<104x128xf32, #tpu.memory_space<vmem>> -> memref<96x128xf32, #tpu.memory_space<vmem>>
        tpu.wait_dma2 semaphore(%arg27 : memref<!tpu.dma_semaphore, #tpu.memory_space<semaphore_mem>>) src(%dma_wait3A_298 : memref<96x128xf32, #tpu.memory_space<vmem>>) dst(%dma_wait3A_295 : memref<96x128xf32, #tpu.memory_space<vmem_shared>>)
        %mul3A_299 = arith.constant 3 : i32
        %mul3A_300 = arith.muli %arg1, %mul3A_299 : i32
        %add3A_301 = arith.constant 0 : i32
        %add3A_302 = arith.addi %mul3A_300, %add3A_301 : i32
        %mul3A_303 = arith.constant 104 : i32
        %mul3A_304 = arith.muli %add3A_302, %mul3A_303 : i32
        %multiple_of3A_305 = tpu.assume_multiple %mul3A_304, 8 : i32
        %mul3A_306 = arith.constant 6400 : i32
        %mul3A_307 = arith.muli %add3A, %mul3A_306 : i32
        %multiple_of3A_308 = tpu.assume_multiple %mul3A_307, 8 : i32
        %add3A_309 = arith.addi %multiple_of3A_308, %multiple_of3A_281 : i32
        %dma_start3A = arith.constant 0 : i32
        %dma_start3A_310 = tpu.memref_slice %arg5[%add3A_309, %dma_start3A] : memref<204800x128xf32, #tpu.memory_space<hbm>> -> memref<96x128xf32, #tpu.memory_space<hbm>>
        %dma_start3A_311 = arith.constant 0 : i32
        %dma_start3A_312 = tpu.memref_slice %arg14[%multiple_of3A_305, %dma_start3A_311] : memref<4992x128xf32, #tpu.memory_space<vmem_shared>> -> memref<96x128xf32, #tpu.memory_space<vmem_shared>>
        tpu.enqueue_dma source(%dma_start3A_312 : memref<96x128xf32, #tpu.memory_space<vmem_shared>>) target(%dma_start3A_310 : memref<96x128xf32, #tpu.memory_space<hbm>>) target_semaphore(%arg30 : memref<!tpu.dma_semaphore, #tpu.memory_space<semaphore_mem>>)
      } else {
      }
      %lt3A_180 = arith.constant 64 : i32
      %lt3A_181 = arith.cmpi slt, %add3A_151, %lt3A_180 : i32
      %convert_element_type3A_182 = arith.extui %lt3A_181 : i1 to i32
      %cond3A_183 = arith.constant 0 : i32
      %cond3A_184 = arith.cmpi ne, %convert_element_type3A_182, %cond3A_183 : i32
      scf.if %cond3A_184 {
        %jit3A = arith.constant 2 : i32
        %div3A = arith.divsi %add3A_151, %jit3A : i32
        %sign3A = arith.constant 0 : i32
        %sign3A_255 = arith.cmpi sgt, %add3A_151, %sign3A : i32
        %sign3A_256 = arith.extui %sign3A_255 : i1 to i32
        %sign3A_257 = arith.constant 0 : i32
        %sign3A_258 = arith.cmpi slt, %add3A_151, %sign3A_257 : i32
        %sign3A_259 = arith.extui %sign3A_258 : i1 to i32
        %sign3A_260 = arith.subi %sign3A_256, %sign3A_259 : i32
        %sign3A_261 = arith.constant 0 : i32
        %sign3A_262 = arith.cmpi sgt, %jit3A, %sign3A_261 : i32
        %sign3A_263 = arith.extui %sign3A_262 : i1 to i32
        %sign3A_264 = arith.constant 0 : i32
        %sign3A_265 = arith.cmpi slt, %jit3A, %sign3A_264 : i32
        %sign3A_266 = arith.extui %sign3A_265 : i1 to i32
        %sign3A_267 = arith.subi %sign3A_263, %sign3A_266 : i32
        %ne3A = arith.cmpi ne, %sign3A_260, %sign3A_267 : i32
        %rem3A = arith.remsi %add3A_151, %jit3A : i32
        %ne3A_268 = arith.constant 0 : i32
        %ne3A_269 = arith.cmpi ne, %rem3A, %ne3A_268 : i32
        %and3A_270 = arith.andi %ne3A, %ne3A_269 : i1
        %sub3A_271 = arith.constant 1 : i32
        %sub3A_272 = arith.subi %div3A, %sub3A_271 : i32
        %select_n3A = arith.select %and3A_270, %sub3A_272, %div3A : i32
        %mul3A_273 = arith.constant 200 : i32
        %mul3A_274 = arith.muli %select_n3A, %mul3A_273 : i32
        %add3A_275 = arith.constant 104 : i32
        %add3A_276 = arith.addi %mul3A_274, %add3A_275 : i32
        %multiple_of3A_277 = tpu.assume_multiple %add3A_276, 8 : i32
        %dma_start3A = arith.constant 0 : i32
        %dma_start3A_278 = arith.constant 0 : i32
        %dma_start3A_279 = tpu.memref_slice %arg10[%dma_start3A, %dma_start3A_278] : memref<104x128xf32, #tpu.memory_space<vmem>> -> memref<96x128xf32, #tpu.memory_space<vmem>>
        %dma_start3A_280 = arith.constant 104 : i32
        %dma_start3A_281 = arith.constant 0 : i32
        %dma_start3A_282 = tpu.memref_slice %arg13[%dma_start3A_280, %dma_start3A_281] : memref<200x128xf32, #tpu.memory_space<vmem_shared>> -> memref<96x128xf32, #tpu.memory_space<vmem_shared>>
        %dma_start3A_283 = arith.constant 0 : i32
        %dma_start3A_284 = arith.constant 0 : i32
        %dma_start3A_285 = tpu.memref_slice %arg10[%dma_start3A_283, %dma_start3A_284] : memref<104x128xf32, #tpu.memory_space<vmem>> -> memref<96x128xf32, #tpu.memory_space<vmem>>
        %dma_start3A_286 = arith.constant 104 : i32
        %dma_start3A_287 = arith.constant 0 : i32
        %dma_start3A_288 = tpu.memref_slice %arg13[%dma_start3A_286, %dma_start3A_287] : memref<200x128xf32, #tpu.memory_space<vmem_shared>> -> memref<96x128xf32, #tpu.memory_space<vmem_shared>>
        tpu.enqueue_dma source(%dma_start3A_288 : memref<96x128xf32, #tpu.memory_space<vmem_shared>>) target(%dma_start3A_285 : memref<96x128xf32, #tpu.memory_space<vmem>>) target_semaphore(%arg18 : memref<!tpu.dma_semaphore, #tpu.memory_space<semaphore_mem>>)
        %dma_wait3A_289 = arith.constant 0 : i32
        %dma_wait3A_290 = arith.constant 0 : i32
        %dma_wait3A_291 = tpu.memref_slice %arg10[%dma_wait3A_289, %dma_wait3A_290] : memref<104x128xf32, #tpu.memory_space<vmem>> -> memref<96x128xf32, #tpu.memory_space<vmem>>
        %dma_wait3A_292 = arith.constant 104 : i32
        %dma_wait3A_293 = arith.constant 0 : i32
        %dma_wait3A_294 = tpu.memref_slice %arg13[%dma_wait3A_292, %dma_wait3A_293] : memref<200x128xf32, #tpu.memory_space<vmem_shared>> -> memref<96x128xf32, #tpu.memory_space<vmem_shared>>
        %dma_wait3A_295 = arith.constant 0 : i32
        %dma_wait3A_296 = arith.constant 0 : i32
        %dma_wait3A_297 = tpu.memref_slice %arg10[%dma_wait3A_295, %dma_wait3A_296] : memref<104x128xf32, #tpu.memory_space<vmem>> -> memref<96x128xf32, #tpu.memory_space<vmem>>
        %dma_wait3A_298 = arith.constant 104 : i32
        %dma_wait3A_299 = arith.constant 0 : i32
        %dma_wait3A_300 = tpu.memref_slice %arg13[%dma_wait3A_298, %dma_wait3A_299] : memref<200x128xf32, #tpu.memory_space<vmem_shared>> -> memref<96x128xf32, #tpu.memory_space<vmem_shared>>
        tpu.wait_dma2 semaphore(%arg18 : memref<!tpu.dma_semaphore, #tpu.memory_space<semaphore_mem>>) src(%dma_wait3A_300 : memref<96x128xf32, #tpu.memory_space<vmem_shared>>) dst(%dma_wait3A_297 : memref<96x128xf32, #tpu.memory_space<vmem>>)
        %jit3A_301 = arith.constant 2 : i32
        %div3A_302 = arith.divsi %add3A_151, %jit3A_301 : i32
        %sign3A_303 = arith.constant 0 : i32
        %sign3A_304 = arith.cmpi sgt, %add3A_151, %sign3A_303 : i32
        %sign3A_305 = arith.extui %sign3A_304 : i1 to i32
        %sign3A_306 = arith.constant 0 : i32
        %sign3A_307 = arith.cmpi slt, %add3A_151, %sign3A_306 : i32
        %sign3A_308 = arith.extui %sign3A_307 : i1 to i32
        %sign3A_309 = arith.subi %sign3A_305, %sign3A_308 : i32
        %sign3A_310 = arith.constant 0 : i32
        %sign3A_311 = arith.cmpi sgt, %jit3A_301, %sign3A_310 : i32
        %sign3A_312 = arith.extui %sign3A_311 : i1 to i32
        %sign3A_313 = arith.constant 0 : i32
        %sign3A_314 = arith.cmpi slt, %jit3A_301, %sign3A_313 : i32
        %sign3A_315 = arith.extui %sign3A_314 : i1 to i32
        %sign3A_316 = arith.subi %sign3A_312, %sign3A_315 : i32
        %ne3A_317 = arith.cmpi ne, %sign3A_309, %sign3A_316 : i32
        %rem3A_318 = arith.remsi %add3A_151, %jit3A_301 : i32
        %ne3A_319 = arith.constant 0 : i32
        %ne3A_320 = arith.cmpi ne, %rem3A_318, %ne3A_319 : i32
        %and3A_321 = arith.andi %ne3A_317, %ne3A_320 : i1
        %sub3A_322 = arith.constant 1 : i32
        %sub3A_323 = arith.subi %div3A_302, %sub3A_322 : i32
        %select_n3A_324 = arith.select %and3A_321, %sub3A_323, %div3A_302 : i32
        %mul3A_325 = arith.constant 200 : i32
        %mul3A_326 = arith.muli %select_n3A_324, %mul3A_325 : i32
        %add3A_327 = arith.constant 104 : i32
        %add3A_328 = arith.addi %mul3A_326, %add3A_327 : i32
        %multiple_of3A_329 = tpu.assume_multiple %add3A_328, 8 : i32
        %dma_start3A_330 = arith.constant 0 : i32
        %dma_start3A_331 = arith.constant 0 : i32
        %dma_start3A_332 = tpu.memref_slice %arg10[%dma_start3A_330, %dma_start3A_331] : memref<104x128xf32, #tpu.memory_space<vmem>> -> memref<96x128xf32, #tpu.memory_space<vmem>>
        %dma_start3A_333 = tpu.memref_slice %arg6[%multiple_of3A_329] : memref<6400xi32, #tpu.memory_space<vmem>> -> memref<96xi32, #tpu.memory_space<vmem>>
        %dma_start3A_334 = arith.constant 0 : i32
        %dma_start3A_335 = arith.constant 0 : i32
        %dma_start3A_336 = tpu.memref_slice %arg3[%dma_start3A_334, %dma_start3A_335] : memref<100000x128xf32, #tpu.memory_space<hbm>> -> memref<100000x128xf32, #tpu.memory_space<hbm>>
        tpu.enqueue_indirect_dma source(%dma_start3A_336 : memref<100000x128xf32, #tpu.memory_space<hbm>>) target(%dma_start3A_332 : memref<96x128xf32, #tpu.memory_space<vmem>>) offsets(%dma_start3A_333 : memref<96xi32, #tpu.memory_space<vmem>>) semaphore(%arg24 : memref<!tpu.dma_semaphore, #tpu.memory_space<semaphore_mem>>) {add = true}
      } else {
      }
      %add3A_185 = arith.constant 4 : i32
      %add3A_186 = arith.addi %add3A_48, %add3A_185 : i32
      %sub3A_187 = arith.constant 4 : i32
      %sub3A_188 = arith.subi %add3A_186, %sub3A_187 : i32
      %ge3A_189 = arith.constant 0 : i32
      %ge3A_190 = arith.cmpi sge, %sub3A_188, %ge3A_189 : i32
      %sub3A_191 = arith.constant 4 : i32
      %sub3A_192 = arith.subi %add3A_186, %sub3A_191 : i32
      %lt3A_193 = arith.constant 64 : i32
      %lt3A_194 = arith.cmpi slt, %sub3A_192, %lt3A_193 : i32
      %and3A_195 = arith.andi %ge3A_190, %lt3A_194 : i1
      %convert_element_type3A_196 = arith.extui %and3A_195 : i1 to i32
      %cond3A_197 = arith.constant 0 : i32
      %cond3A_198 = arith.cmpi ne, %convert_element_type3A_196, %cond3A_197 : i32
      scf.if %cond3A_198 {
        %sub3A_255 = arith.constant 4 : i32
        %sub3A_256 = arith.subi %add3A_186, %sub3A_255 : i32
        %jit3A = arith.constant 2 : i32
        %div3A = arith.divsi %sub3A_256, %jit3A : i32
        %sign3A = arith.constant 0 : i32
        %sign3A_257 = arith.cmpi sgt, %sub3A_256, %sign3A : i32
        %sign3A_258 = arith.extui %sign3A_257 : i1 to i32
        %sign3A_259 = arith.constant 0 : i32
        %sign3A_260 = arith.cmpi slt, %sub3A_256, %sign3A_259 : i32
        %sign3A_261 = arith.extui %sign3A_260 : i1 to i32
        %sign3A_262 = arith.subi %sign3A_258, %sign3A_261 : i32
        %sign3A_263 = arith.constant 0 : i32
        %sign3A_264 = arith.cmpi sgt, %jit3A, %sign3A_263 : i32
        %sign3A_265 = arith.extui %sign3A_264 : i1 to i32
        %sign3A_266 = arith.constant 0 : i32
        %sign3A_267 = arith.cmpi slt, %jit3A, %sign3A_266 : i32
        %sign3A_268 = arith.extui %sign3A_267 : i1 to i32
        %sign3A_269 = arith.subi %sign3A_265, %sign3A_268 : i32
        %ne3A = arith.cmpi ne, %sign3A_262, %sign3A_269 : i32
        %rem3A = arith.remsi %sub3A_256, %jit3A : i32
        %ne3A_270 = arith.constant 0 : i32
        %ne3A_271 = arith.cmpi ne, %rem3A, %ne3A_270 : i32
        %and3A_272 = arith.andi %ne3A, %ne3A_271 : i1
        %sub3A_273 = arith.constant 1 : i32
        %sub3A_274 = arith.subi %div3A, %sub3A_273 : i32
        %select_n3A = arith.select %and3A_272, %sub3A_274, %div3A : i32
        %mul3A_275 = arith.constant 200 : i32
        %mul3A_276 = arith.muli %select_n3A, %mul3A_275 : i32
        %add3A_277 = arith.constant 0 : i32
        %add3A_278 = arith.addi %mul3A_276, %add3A_277 : i32
        %multiple_of3A_279 = tpu.assume_multiple %add3A_278, 8 : i32
        %ge3A_280 = arith.constant 3 : i32
        %ge3A_281 = arith.cmpi sge, %sub3A_256, %ge3A_280 : i32
        %convert_element_type3A_282 = arith.extui %ge3A_281 : i1 to i32
        %cond3A_283 = arith.constant 0 : i32
        %cond3A_284 = arith.cmpi ne, %convert_element_type3A_282, %cond3A_283 : i32
        scf.if %cond3A_284 {
          %mul3A_337 = arith.constant 3 : i32
          %mul3A_338 = arith.muli %arg1, %mul3A_337 : i32
          %add3A_339 = arith.constant 0 : i32
          %add3A_340 = arith.addi %mul3A_338, %add3A_339 : i32
          %mul3A_341 = arith.constant 104 : i32
          %mul3A_342 = arith.muli %add3A_340, %mul3A_341 : i32
          %multiple_of3A_343 = tpu.assume_multiple %mul3A_342, 8 : i32
          %dma_wait3A_344 = arith.constant 0 : i32
          %dma_wait3A_345 = arith.constant 0 : i32
          %dma_wait3A_346 = tpu.memref_slice %arg5[%dma_wait3A_344, %dma_wait3A_345] : memref<204800x128xf32, #tpu.memory_space<hbm>> -> memref<96x128xf32, #tpu.memory_space<hbm>>
          %dma_wait3A_347 = arith.constant 0 : i32
          %dma_wait3A_348 = tpu.memref_slice %arg14[%multiple_of3A_343, %dma_wait3A_347] : memref<4992x128xf32, #tpu.memory_space<vmem_shared>> -> memref<96x128xf32, #tpu.memory_space<vmem_shared>>
          tpu.wait_dma2 semaphore(%arg30 : memref<!tpu.dma_semaphore, #tpu.memory_space<semaphore_mem>>) src(%dma_wait3A_348 : memref<96x128xf32, #tpu.memory_space<vmem_shared>>) dst(%dma_wait3A_346 : memref<96x128xf32, #tpu.memory_space<hbm>>)
        } else {
        }
        %jit3A_285 = arith.constant 2 : i32
        %div3A_286 = arith.divsi %sub3A_256, %jit3A_285 : i32
        %sign3A_287 = arith.constant 0 : i32
        %sign3A_288 = arith.cmpi sgt, %sub3A_256, %sign3A_287 : i32
        %sign3A_289 = arith.extui %sign3A_288 : i1 to i32
        %sign3A_290 = arith.constant 0 : i32
        %sign3A_291 = arith.cmpi slt, %sub3A_256, %sign3A_290 : i32
        %sign3A_292 = arith.extui %sign3A_291 : i1 to i32
        %sign3A_293 = arith.subi %sign3A_289, %sign3A_292 : i32
        %sign3A_294 = arith.constant 0 : i32
        %sign3A_295 = arith.cmpi sgt, %jit3A_285, %sign3A_294 : i32
        %sign3A_296 = arith.extui %sign3A_295 : i1 to i32
        %sign3A_297 = arith.constant 0 : i32
        %sign3A_298 = arith.cmpi slt, %jit3A_285, %sign3A_297 : i32
        %sign3A_299 = arith.extui %sign3A_298 : i1 to i32
        %sign3A_300 = arith.subi %sign3A_296, %sign3A_299 : i32
        %ne3A_301 = arith.cmpi ne, %sign3A_293, %sign3A_300 : i32
        %rem3A_302 = arith.remsi %sub3A_256, %jit3A_285 : i32
        %ne3A_303 = arith.constant 0 : i32
        %ne3A_304 = arith.cmpi ne, %rem3A_302, %ne3A_303 : i32
        %and3A_305 = arith.andi %ne3A_301, %ne3A_304 : i1
        %sub3A_306 = arith.constant 1 : i32
        %sub3A_307 = arith.subi %div3A_286, %sub3A_306 : i32
        %select_n3A_308 = arith.select %and3A_305, %sub3A_307, %div3A_286 : i32
        %mul3A_309 = arith.constant 200 : i32
        %mul3A_310 = arith.muli %select_n3A_308, %mul3A_309 : i32
        %add3A_311 = arith.constant 0 : i32
        %add3A_312 = arith.addi %mul3A_310, %add3A_311 : i32
        %multiple_of3A_313 = tpu.assume_multiple %add3A_312, 8 : i32
        %dma_wait3A_314 = arith.constant 0 : i32
        %dma_wait3A_315 = arith.constant 0 : i32
        %dma_wait3A_316 = tpu.memref_slice %arg7[%dma_wait3A_314, %dma_wait3A_315] : memref<104x128xf32, #tpu.memory_space<vmem>> -> memref<104x128xf32, #tpu.memory_space<vmem>>
        %dma_wait3A_317 = tpu.memref_slice %arg6[%multiple_of3A_313] : memref<6400xi32, #tpu.memory_space<vmem>> -> memref<104xi32, #tpu.memory_space<vmem>>
        %dma_wait3A_318 = arith.constant 0 : i32
        %dma_wait3A_319 = arith.constant 0 : i32
        %dma_wait3A_320 = tpu.memref_slice %arg3[%dma_wait3A_318, %dma_wait3A_319] : memref<100000x128xf32, #tpu.memory_space<hbm>> -> memref<100000x128xf32, #tpu.memory_space<hbm>>
        tpu.wait_indirect_dma semaphore(%arg21 : memref<!tpu.dma_semaphore, #tpu.memory_space<semaphore_mem>>) src(%dma_wait3A_320 : memref<100000x128xf32, #tpu.memory_space<hbm>>) dst(%dma_wait3A_316 : memref<104x128xf32, #tpu.memory_space<vmem>>)
        %mul3A_321 = arith.constant 3 : i32
        %mul3A_322 = arith.muli %arg1, %mul3A_321 : i32
        %add3A_323 = arith.constant 0 : i32
        %add3A_324 = arith.addi %mul3A_322, %add3A_323 : i32
        %mul3A_325 = arith.constant 104 : i32
        %mul3A_326 = arith.muli %add3A_324, %mul3A_325 : i32
        %multiple_of3A_327 = tpu.assume_multiple %mul3A_326, 8 : i32
        %dma_start3A = arith.constant 0 : i32
        %dma_start3A_328 = arith.constant 0 : i32
        %dma_start3A_329 = tpu.memref_slice %arg7[%dma_start3A, %dma_start3A_328] : memref<104x128xf32, #tpu.memory_space<vmem>> -> memref<104x128xf32, #tpu.memory_space<vmem>>
        %dma_start3A_330 = arith.constant 0 : i32
        %dma_start3A_331 = tpu.memref_slice %arg14[%multiple_of3A_327, %dma_start3A_330] : memref<4992x128xf32, #tpu.memory_space<vmem_shared>> -> memref<104x128xf32, #tpu.memory_space<vmem_shared>>
        %dma_start3A_332 = arith.constant 0 : i32
        %dma_start3A_333 = tpu.memref_slice %arg14[%multiple_of3A_327, %dma_start3A_332] : memref<4992x128xf32, #tpu.memory_space<vmem_shared>> -> memref<104x128xf32, #tpu.memory_space<vmem_shared>>
        %dma_start3A_334 = arith.constant 0 : i32
        %dma_start3A_335 = arith.constant 0 : i32
        %dma_start3A_336 = tpu.memref_slice %arg7[%dma_start3A_334, %dma_start3A_335] : memref<104x128xf32, #tpu.memory_space<vmem>> -> memref<104x128xf32, #tpu.memory_space<vmem>>
        tpu.enqueue_dma source(%dma_start3A_336 : memref<104x128xf32, #tpu.memory_space<vmem>>) target(%dma_start3A_333 : memref<104x128xf32, #tpu.memory_space<vmem_shared>>) target_semaphore(%arg27 : memref<!tpu.dma_semaphore, #tpu.memory_space<semaphore_mem>>)
      } else {
      }
      %sub3A_199 = arith.constant 4 : i32
      %sub3A_200 = arith.subi %add3A_186, %sub3A_199 : i32
      %sub3A_201 = arith.constant 2 : i32
      %sub3A_202 = arith.subi %sub3A_200, %sub3A_201 : i32
      %ge3A_203 = arith.constant 0 : i32
      %ge3A_204 = arith.cmpi sge, %sub3A_202, %ge3A_203 : i32
      %sub3A_205 = arith.constant 4 : i32
      %sub3A_206 = arith.subi %add3A_186, %sub3A_205 : i32
      %sub3A_207 = arith.constant 2 : i32
      %sub3A_208 = arith.subi %sub3A_206, %sub3A_207 : i32
      %lt3A_209 = arith.constant 64 : i32
      %lt3A_210 = arith.cmpi slt, %sub3A_208, %lt3A_209 : i32
      %and3A_211 = arith.andi %ge3A_204, %lt3A_210 : i1
      %convert_element_type3A_212 = arith.extui %and3A_211 : i1 to i32
      %cond3A_213 = arith.constant 0 : i32
      %cond3A_214 = arith.cmpi ne, %convert_element_type3A_212, %cond3A_213 : i32
      scf.if %cond3A_214 {
        %sub3A_255 = arith.constant 4 : i32
        %sub3A_256 = arith.subi %add3A_186, %sub3A_255 : i32
        %sub3A_257 = arith.constant 2 : i32
        %sub3A_258 = arith.subi %sub3A_256, %sub3A_257 : i32
        %jit3A = arith.constant 2 : i32
        %div3A = arith.divsi %sub3A_258, %jit3A : i32
        %sign3A = arith.constant 0 : i32
        %sign3A_259 = arith.cmpi sgt, %sub3A_258, %sign3A : i32
        %sign3A_260 = arith.extui %sign3A_259 : i1 to i32
        %sign3A_261 = arith.constant 0 : i32
        %sign3A_262 = arith.cmpi slt, %sub3A_258, %sign3A_261 : i32
        %sign3A_263 = arith.extui %sign3A_262 : i1 to i32
        %sign3A_264 = arith.subi %sign3A_260, %sign3A_263 : i32
        %sign3A_265 = arith.constant 0 : i32
        %sign3A_266 = arith.cmpi sgt, %jit3A, %sign3A_265 : i32
        %sign3A_267 = arith.extui %sign3A_266 : i1 to i32
        %sign3A_268 = arith.constant 0 : i32
        %sign3A_269 = arith.cmpi slt, %jit3A, %sign3A_268 : i32
        %sign3A_270 = arith.extui %sign3A_269 : i1 to i32
        %sign3A_271 = arith.subi %sign3A_267, %sign3A_270 : i32
        %ne3A = arith.cmpi ne, %sign3A_264, %sign3A_271 : i32
        %rem3A = arith.remsi %sub3A_258, %jit3A : i32
        %ne3A_272 = arith.constant 0 : i32
        %ne3A_273 = arith.cmpi ne, %rem3A, %ne3A_272 : i32
        %and3A_274 = arith.andi %ne3A, %ne3A_273 : i1
        %sub3A_275 = arith.constant 1 : i32
        %sub3A_276 = arith.subi %div3A, %sub3A_275 : i32
        %select_n3A = arith.select %and3A_274, %sub3A_276, %div3A : i32
        %mul3A_277 = arith.constant 200 : i32
        %mul3A_278 = arith.muli %select_n3A, %mul3A_277 : i32
        %add3A_279 = arith.constant 0 : i32
        %add3A_280 = arith.addi %mul3A_278, %add3A_279 : i32
        %multiple_of3A_281 = tpu.assume_multiple %add3A_280, 8 : i32
        %mul3A_282 = arith.constant 3 : i32
        %mul3A_283 = arith.muli %arg1, %mul3A_282 : i32
        %add3A_284 = arith.constant 1 : i32
        %add3A_285 = arith.addi %mul3A_283, %add3A_284 : i32
        %mul3A_286 = arith.constant 104 : i32
        %mul3A_287 = arith.muli %add3A_285, %mul3A_286 : i32
        %multiple_of3A_288 = tpu.assume_multiple %mul3A_287, 8 : i32
        %dma_wait3A_289 = arith.constant 0 : i32
        %dma_wait3A_290 = arith.constant 0 : i32
        %dma_wait3A_291 = tpu.memref_slice %arg11[%dma_wait3A_289, %dma_wait3A_290] : memref<104x128xf32, #tpu.memory_space<vmem>> -> memref<104x128xf32, #tpu.memory_space<vmem>>
        %dma_wait3A_292 = arith.constant 0 : i32
        %dma_wait3A_293 = tpu.memref_slice %arg14[%multiple_of3A_288, %dma_wait3A_292] : memref<4992x128xf32, #tpu.memory_space<vmem_shared>> -> memref<104x128xf32, #tpu.memory_space<vmem_shared>>
        %dma_wait3A_294 = arith.constant 0 : i32
        %dma_wait3A_295 = tpu.memref_slice %arg14[%multiple_of3A_288, %dma_wait3A_294] : memref<4992x128xf32, #tpu.memory_space<vmem_shared>> -> memref<104x128xf32, #tpu.memory_space<vmem_shared>>
        %dma_wait3A_296 = arith.constant 0 : i32
        %dma_wait3A_297 = arith.constant 0 : i32
        %dma_wait3A_298 = tpu.memref_slice %arg11[%dma_wait3A_296, %dma_wait3A_297] : memref<104x128xf32, #tpu.memory_space<vmem>> -> memref<104x128xf32, #tpu.memory_space<vmem>>
        tpu.wait_dma2 semaphore(%arg28 : memref<!tpu.dma_semaphore, #tpu.memory_space<semaphore_mem>>) src(%dma_wait3A_298 : memref<104x128xf32, #tpu.memory_space<vmem>>) dst(%dma_wait3A_295 : memref<104x128xf32, #tpu.memory_space<vmem_shared>>)
        %mul3A_299 = arith.constant 3 : i32
        %mul3A_300 = arith.muli %arg1, %mul3A_299 : i32
        %add3A_301 = arith.constant 1 : i32
        %add3A_302 = arith.addi %mul3A_300, %add3A_301 : i32
        %mul3A_303 = arith.constant 104 : i32
        %mul3A_304 = arith.muli %add3A_302, %mul3A_303 : i32
        %multiple_of3A_305 = tpu.assume_multiple %mul3A_304, 8 : i32
        %mul3A_306 = arith.constant 6400 : i32
        %mul3A_307 = arith.muli %add3A, %mul3A_306 : i32
        %multiple_of3A_308 = tpu.assume_multiple %mul3A_307, 8 : i32
        %add3A_309 = arith.addi %multiple_of3A_308, %multiple_of3A_281 : i32
        %dma_start3A = arith.constant 0 : i32
        %dma_start3A_310 = tpu.memref_slice %arg5[%add3A_309, %dma_start3A] : memref<204800x128xf32, #tpu.memory_space<hbm>> -> memref<104x128xf32, #tpu.memory_space<hbm>>
        %dma_start3A_311 = arith.constant 0 : i32
        %dma_start3A_312 = tpu.memref_slice %arg14[%multiple_of3A_305, %dma_start3A_311] : memref<4992x128xf32, #tpu.memory_space<vmem_shared>> -> memref<104x128xf32, #tpu.memory_space<vmem_shared>>
        tpu.enqueue_dma source(%dma_start3A_312 : memref<104x128xf32, #tpu.memory_space<vmem_shared>>) target(%dma_start3A_310 : memref<104x128xf32, #tpu.memory_space<hbm>>) target_semaphore(%arg31 : memref<!tpu.dma_semaphore, #tpu.memory_space<semaphore_mem>>)
      } else {
      }
      %lt3A_215 = arith.constant 64 : i32
      %lt3A_216 = arith.cmpi slt, %add3A_186, %lt3A_215 : i32
      %convert_element_type3A_217 = arith.extui %lt3A_216 : i1 to i32
      %cond3A_218 = arith.constant 0 : i32
      %cond3A_219 = arith.cmpi ne, %convert_element_type3A_217, %cond3A_218 : i32
      scf.if %cond3A_219 {
        %jit3A = arith.constant 2 : i32
        %div3A = arith.divsi %add3A_186, %jit3A : i32
        %sign3A = arith.constant 0 : i32
        %sign3A_255 = arith.cmpi sgt, %add3A_186, %sign3A : i32
        %sign3A_256 = arith.extui %sign3A_255 : i1 to i32
        %sign3A_257 = arith.constant 0 : i32
        %sign3A_258 = arith.cmpi slt, %add3A_186, %sign3A_257 : i32
        %sign3A_259 = arith.extui %sign3A_258 : i1 to i32
        %sign3A_260 = arith.subi %sign3A_256, %sign3A_259 : i32
        %sign3A_261 = arith.constant 0 : i32
        %sign3A_262 = arith.cmpi sgt, %jit3A, %sign3A_261 : i32
        %sign3A_263 = arith.extui %sign3A_262 : i1 to i32
        %sign3A_264 = arith.constant 0 : i32
        %sign3A_265 = arith.cmpi slt, %jit3A, %sign3A_264 : i32
        %sign3A_266 = arith.extui %sign3A_265 : i1 to i32
        %sign3A_267 = arith.subi %sign3A_263, %sign3A_266 : i32
        %ne3A = arith.cmpi ne, %sign3A_260, %sign3A_267 : i32
        %rem3A = arith.remsi %add3A_186, %jit3A : i32
        %ne3A_268 = arith.constant 0 : i32
        %ne3A_269 = arith.cmpi ne, %rem3A, %ne3A_268 : i32
        %and3A_270 = arith.andi %ne3A, %ne3A_269 : i1
        %sub3A_271 = arith.constant 1 : i32
        %sub3A_272 = arith.subi %div3A, %sub3A_271 : i32
        %select_n3A = arith.select %and3A_270, %sub3A_272, %div3A : i32
        %mul3A_273 = arith.constant 200 : i32
        %mul3A_274 = arith.muli %select_n3A, %mul3A_273 : i32
        %add3A_275 = arith.constant 0 : i32
        %add3A_276 = arith.addi %mul3A_274, %add3A_275 : i32
        %multiple_of3A_277 = tpu.assume_multiple %add3A_276, 8 : i32
        %dma_start3A = arith.constant 0 : i32
        %dma_start3A_278 = arith.constant 0 : i32
        %dma_start3A_279 = tpu.memref_slice %arg11[%dma_start3A, %dma_start3A_278] : memref<104x128xf32, #tpu.memory_space<vmem>> -> memref<104x128xf32, #tpu.memory_space<vmem>>
        %dma_start3A_280 = arith.constant 0 : i32
        %dma_start3A_281 = arith.constant 0 : i32
        %dma_start3A_282 = tpu.memref_slice %arg13[%dma_start3A_280, %dma_start3A_281] : memref<200x128xf32, #tpu.memory_space<vmem_shared>> -> memref<104x128xf32, #tpu.memory_space<vmem_shared>>
        %dma_start3A_283 = arith.constant 0 : i32
        %dma_start3A_284 = arith.constant 0 : i32
        %dma_start3A_285 = tpu.memref_slice %arg11[%dma_start3A_283, %dma_start3A_284] : memref<104x128xf32, #tpu.memory_space<vmem>> -> memref<104x128xf32, #tpu.memory_space<vmem>>
        %dma_start3A_286 = arith.constant 0 : i32
        %dma_start3A_287 = arith.constant 0 : i32
        %dma_start3A_288 = tpu.memref_slice %arg13[%dma_start3A_286, %dma_start3A_287] : memref<200x128xf32, #tpu.memory_space<vmem_shared>> -> memref<104x128xf32, #tpu.memory_space<vmem_shared>>
        tpu.enqueue_dma source(%dma_start3A_288 : memref<104x128xf32, #tpu.memory_space<vmem_shared>>) target(%dma_start3A_285 : memref<104x128xf32, #tpu.memory_space<vmem>>) target_semaphore(%arg19 : memref<!tpu.dma_semaphore, #tpu.memory_space<semaphore_mem>>)
        %dma_wait3A_289 = arith.constant 0 : i32
        %dma_wait3A_290 = arith.constant 0 : i32
        %dma_wait3A_291 = tpu.memref_slice %arg11[%dma_wait3A_289, %dma_wait3A_290] : memref<104x128xf32, #tpu.memory_space<vmem>> -> memref<104x128xf32, #tpu.memory_space<vmem>>
        %dma_wait3A_292 = arith.constant 0 : i32
        %dma_wait3A_293 = arith.constant 0 : i32
        %dma_wait3A_294 = tpu.memref_slice %arg13[%dma_wait3A_292, %dma_wait3A_293] : memref<200x128xf32, #tpu.memory_space<vmem_shared>> -> memref<104x128xf32, #tpu.memory_space<vmem_shared>>
        %dma_wait3A_295 = arith.constant 0 : i32
        %dma_wait3A_296 = arith.constant 0 : i32
        %dma_wait3A_297 = tpu.memref_slice %arg11[%dma_wait3A_295, %dma_wait3A_296] : memref<104x128xf32, #tpu.memory_space<vmem>> -> memref<104x128xf32, #tpu.memory_space<vmem>>
        %dma_wait3A_298 = arith.constant 0 : i32
        %dma_wait3A_299 = arith.constant 0 : i32
        %dma_wait3A_300 = tpu.memref_slice %arg13[%dma_wait3A_298, %dma_wait3A_299] : memref<200x128xf32, #tpu.memory_space<vmem_shared>> -> memref<104x128xf32, #tpu.memory_space<vmem_shared>>
        tpu.wait_dma2 semaphore(%arg19 : memref<!tpu.dma_semaphore, #tpu.memory_space<semaphore_mem>>) src(%dma_wait3A_300 : memref<104x128xf32, #tpu.memory_space<vmem_shared>>) dst(%dma_wait3A_297 : memref<104x128xf32, #tpu.memory_space<vmem>>)
        %jit3A_301 = arith.constant 2 : i32
        %div3A_302 = arith.divsi %add3A_186, %jit3A_301 : i32
        %sign3A_303 = arith.constant 0 : i32
        %sign3A_304 = arith.cmpi sgt, %add3A_186, %sign3A_303 : i32
        %sign3A_305 = arith.extui %sign3A_304 : i1 to i32
        %sign3A_306 = arith.constant 0 : i32
        %sign3A_307 = arith.cmpi slt, %add3A_186, %sign3A_306 : i32
        %sign3A_308 = arith.extui %sign3A_307 : i1 to i32
        %sign3A_309 = arith.subi %sign3A_305, %sign3A_308 : i32
        %sign3A_310 = arith.constant 0 : i32
        %sign3A_311 = arith.cmpi sgt, %jit3A_301, %sign3A_310 : i32
        %sign3A_312 = arith.extui %sign3A_311 : i1 to i32
        %sign3A_313 = arith.constant 0 : i32
        %sign3A_314 = arith.cmpi slt, %jit3A_301, %sign3A_313 : i32
        %sign3A_315 = arith.extui %sign3A_314 : i1 to i32
        %sign3A_316 = arith.subi %sign3A_312, %sign3A_315 : i32
        %ne3A_317 = arith.cmpi ne, %sign3A_309, %sign3A_316 : i32
        %rem3A_318 = arith.remsi %add3A_186, %jit3A_301 : i32
        %ne3A_319 = arith.constant 0 : i32
        %ne3A_320 = arith.cmpi ne, %rem3A_318, %ne3A_319 : i32
        %and3A_321 = arith.andi %ne3A_317, %ne3A_320 : i1
        %sub3A_322 = arith.constant 1 : i32
        %sub3A_323 = arith.subi %div3A_302, %sub3A_322 : i32
        %select_n3A_324 = arith.select %and3A_321, %sub3A_323, %div3A_302 : i32
        %mul3A_325 = arith.constant 200 : i32
        %mul3A_326 = arith.muli %select_n3A_324, %mul3A_325 : i32
        %add3A_327 = arith.constant 0 : i32
        %add3A_328 = arith.addi %mul3A_326, %add3A_327 : i32
        %multiple_of3A_329 = tpu.assume_multiple %add3A_328, 8 : i32
        %dma_start3A_330 = arith.constant 0 : i32
        %dma_start3A_331 = arith.constant 0 : i32
        %dma_start3A_332 = tpu.memref_slice %arg11[%dma_start3A_330, %dma_start3A_331] : memref<104x128xf32, #tpu.memory_space<vmem>> -> memref<104x128xf32, #tpu.memory_space<vmem>>
        %dma_start3A_333 = tpu.memref_slice %arg6[%multiple_of3A_329] : memref<6400xi32, #tpu.memory_space<vmem>> -> memref<104xi32, #tpu.memory_space<vmem>>
        %dma_start3A_334 = arith.constant 0 : i32
        %dma_start3A_335 = arith.constant 0 : i32
        %dma_start3A_336 = tpu.memref_slice %arg3[%dma_start3A_334, %dma_start3A_335] : memref<100000x128xf32, #tpu.memory_space<hbm>> -> memref<100000x128xf32, #tpu.memory_space<hbm>>
        tpu.enqueue_indirect_dma source(%dma_start3A_336 : memref<100000x128xf32, #tpu.memory_space<hbm>>) target(%dma_start3A_332 : memref<104x128xf32, #tpu.memory_space<vmem>>) offsets(%dma_start3A_333 : memref<104xi32, #tpu.memory_space<vmem>>) semaphore(%arg25 : memref<!tpu.dma_semaphore, #tpu.memory_space<semaphore_mem>>) {add = true}
      } else {
      }
      %add3A_220 = arith.constant 5 : i32
      %add3A_221 = arith.addi %add3A_48, %add3A_220 : i32
      %sub3A_222 = arith.constant 4 : i32
      %sub3A_223 = arith.subi %add3A_221, %sub3A_222 : i32
      %ge3A_224 = arith.constant 0 : i32
      %ge3A_225 = arith.cmpi sge, %sub3A_223, %ge3A_224 : i32
      %sub3A_226 = arith.constant 4 : i32
      %sub3A_227 = arith.subi %add3A_221, %sub3A_226 : i32
      %lt3A_228 = arith.constant 64 : i32
      %lt3A_229 = arith.cmpi slt, %sub3A_227, %lt3A_228 : i32
      %and3A_230 = arith.andi %ge3A_225, %lt3A_229 : i1
      %convert_element_type3A_231 = arith.extui %and3A_230 : i1 to i32
      %cond3A_232 = arith.constant 0 : i32
      %cond3A_233 = arith.cmpi ne, %convert_element_type3A_231, %cond3A_232 : i32
      scf.if %cond3A_233 {
        %sub3A_255 = arith.constant 4 : i32
        %sub3A_256 = arith.subi %add3A_221, %sub3A_255 : i32
        %jit3A = arith.constant 2 : i32
        %div3A = arith.divsi %sub3A_256, %jit3A : i32
        %sign3A = arith.constant 0 : i32
        %sign3A_257 = arith.cmpi sgt, %sub3A_256, %sign3A : i32
        %sign3A_258 = arith.extui %sign3A_257 : i1 to i32
        %sign3A_259 = arith.constant 0 : i32
        %sign3A_260 = arith.cmpi slt, %sub3A_256, %sign3A_259 : i32
        %sign3A_261 = arith.extui %sign3A_260 : i1 to i32
        %sign3A_262 = arith.subi %sign3A_258, %sign3A_261 : i32
        %sign3A_263 = arith.constant 0 : i32
        %sign3A_264 = arith.cmpi sgt, %jit3A, %sign3A_263 : i32
        %sign3A_265 = arith.extui %sign3A_264 : i1 to i32
        %sign3A_266 = arith.constant 0 : i32
        %sign3A_267 = arith.cmpi slt, %jit3A, %sign3A_266 : i32
        %sign3A_268 = arith.extui %sign3A_267 : i1 to i32
        %sign3A_269 = arith.subi %sign3A_265, %sign3A_268 : i32
        %ne3A = arith.cmpi ne, %sign3A_262, %sign3A_269 : i32
        %rem3A = arith.remsi %sub3A_256, %jit3A : i32
        %ne3A_270 = arith.constant 0 : i32
        %ne3A_271 = arith.cmpi ne, %rem3A, %ne3A_270 : i32
        %and3A_272 = arith.andi %ne3A, %ne3A_271 : i1
        %sub3A_273 = arith.constant 1 : i32
        %sub3A_274 = arith.subi %div3A, %sub3A_273 : i32
        %select_n3A = arith.select %and3A_272, %sub3A_274, %div3A : i32
        %mul3A_275 = arith.constant 200 : i32
        %mul3A_276 = arith.muli %select_n3A, %mul3A_275 : i32
        %add3A_277 = arith.constant 104 : i32
        %add3A_278 = arith.addi %mul3A_276, %add3A_277 : i32
        %multiple_of3A_279 = tpu.assume_multiple %add3A_278, 8 : i32
        %ge3A_280 = arith.constant 3 : i32
        %ge3A_281 = arith.cmpi sge, %sub3A_256, %ge3A_280 : i32
        %convert_element_type3A_282 = arith.extui %ge3A_281 : i1 to i32
        %cond3A_283 = arith.constant 0 : i32
        %cond3A_284 = arith.cmpi ne, %convert_element_type3A_282, %cond3A_283 : i32
        scf.if %cond3A_284 {
          %mul3A_337 = arith.constant 3 : i32
          %mul3A_338 = arith.muli %arg1, %mul3A_337 : i32
          %add3A_339 = arith.constant 1 : i32
          %add3A_340 = arith.addi %mul3A_338, %add3A_339 : i32
          %mul3A_341 = arith.constant 104 : i32
          %mul3A_342 = arith.muli %add3A_340, %mul3A_341 : i32
          %multiple_of3A_343 = tpu.assume_multiple %mul3A_342, 8 : i32
          %dma_wait3A_344 = arith.constant 0 : i32
          %dma_wait3A_345 = arith.constant 0 : i32
          %dma_wait3A_346 = tpu.memref_slice %arg5[%dma_wait3A_344, %dma_wait3A_345] : memref<204800x128xf32, #tpu.memory_space<hbm>> -> memref<104x128xf32, #tpu.memory_space<hbm>>
          %dma_wait3A_347 = arith.constant 0 : i32
          %dma_wait3A_348 = tpu.memref_slice %arg14[%multiple_of3A_343, %dma_wait3A_347] : memref<4992x128xf32, #tpu.memory_space<vmem_shared>> -> memref<104x128xf32, #tpu.memory_space<vmem_shared>>
          tpu.wait_dma2 semaphore(%arg31 : memref<!tpu.dma_semaphore, #tpu.memory_space<semaphore_mem>>) src(%dma_wait3A_348 : memref<104x128xf32, #tpu.memory_space<vmem_shared>>) dst(%dma_wait3A_346 : memref<104x128xf32, #tpu.memory_space<hbm>>)
        } else {
        }
        %jit3A_285 = arith.constant 2 : i32
        %div3A_286 = arith.divsi %sub3A_256, %jit3A_285 : i32
        %sign3A_287 = arith.constant 0 : i32
        %sign3A_288 = arith.cmpi sgt, %sub3A_256, %sign3A_287 : i32
        %sign3A_289 = arith.extui %sign3A_288 : i1 to i32
        %sign3A_290 = arith.constant 0 : i32
        %sign3A_291 = arith.cmpi slt, %sub3A_256, %sign3A_290 : i32
        %sign3A_292 = arith.extui %sign3A_291 : i1 to i32
        %sign3A_293 = arith.subi %sign3A_289, %sign3A_292 : i32
        %sign3A_294 = arith.constant 0 : i32
        %sign3A_295 = arith.cmpi sgt, %jit3A_285, %sign3A_294 : i32
        %sign3A_296 = arith.extui %sign3A_295 : i1 to i32
        %sign3A_297 = arith.constant 0 : i32
        %sign3A_298 = arith.cmpi slt, %jit3A_285, %sign3A_297 : i32
        %sign3A_299 = arith.extui %sign3A_298 : i1 to i32
        %sign3A_300 = arith.subi %sign3A_296, %sign3A_299 : i32
        %ne3A_301 = arith.cmpi ne, %sign3A_293, %sign3A_300 : i32
        %rem3A_302 = arith.remsi %sub3A_256, %jit3A_285 : i32
        %ne3A_303 = arith.constant 0 : i32
        %ne3A_304 = arith.cmpi ne, %rem3A_302, %ne3A_303 : i32
        %and3A_305 = arith.andi %ne3A_301, %ne3A_304 : i1
        %sub3A_306 = arith.constant 1 : i32
        %sub3A_307 = arith.subi %div3A_286, %sub3A_306 : i32
        %select_n3A_308 = arith.select %and3A_305, %sub3A_307, %div3A_286 : i32
        %mul3A_309 = arith.constant 200 : i32
        %mul3A_310 = arith.muli %select_n3A_308, %mul3A_309 : i32
        %add3A_311 = arith.constant 104 : i32
        %add3A_312 = arith.addi %mul3A_310, %add3A_311 : i32
        %multiple_of3A_313 = tpu.assume_multiple %add3A_312, 8 : i32
        %dma_wait3A_314 = arith.constant 0 : i32
        %dma_wait3A_315 = arith.constant 0 : i32
        %dma_wait3A_316 = tpu.memref_slice %arg8[%dma_wait3A_314, %dma_wait3A_315] : memref<104x128xf32, #tpu.memory_space<vmem>> -> memref<96x128xf32, #tpu.memory_space<vmem>>
        %dma_wait3A_317 = tpu.memref_slice %arg6[%multiple_of3A_313] : memref<6400xi32, #tpu.memory_space<vmem>> -> memref<96xi32, #tpu.memory_space<vmem>>
        %dma_wait3A_318 = arith.constant 0 : i32
        %dma_wait3A_319 = arith.constant 0 : i32
        %dma_wait3A_320 = tpu.memref_slice %arg3[%dma_wait3A_318, %dma_wait3A_319] : memref<100000x128xf32, #tpu.memory_space<hbm>> -> memref<100000x128xf32, #tpu.memory_space<hbm>>
        tpu.wait_indirect_dma semaphore(%arg22 : memref<!tpu.dma_semaphore, #tpu.memory_space<semaphore_mem>>) src(%dma_wait3A_320 : memref<100000x128xf32, #tpu.memory_space<hbm>>) dst(%dma_wait3A_316 : memref<96x128xf32, #tpu.memory_space<vmem>>)
        %mul3A_321 = arith.constant 3 : i32
        %mul3A_322 = arith.muli %arg1, %mul3A_321 : i32
        %add3A_323 = arith.constant 1 : i32
        %add3A_324 = arith.addi %mul3A_322, %add3A_323 : i32
        %mul3A_325 = arith.constant 104 : i32
        %mul3A_326 = arith.muli %add3A_324, %mul3A_325 : i32
        %multiple_of3A_327 = tpu.assume_multiple %mul3A_326, 8 : i32
        %dma_start3A = arith.constant 0 : i32
        %dma_start3A_328 = arith.constant 0 : i32
        %dma_start3A_329 = tpu.memref_slice %arg8[%dma_start3A, %dma_start3A_328] : memref<104x128xf32, #tpu.memory_space<vmem>> -> memref<96x128xf32, #tpu.memory_space<vmem>>
        %dma_start3A_330 = arith.constant 0 : i32
        %dma_start3A_331 = tpu.memref_slice %arg14[%multiple_of3A_327, %dma_start3A_330] : memref<4992x128xf32, #tpu.memory_space<vmem_shared>> -> memref<96x128xf32, #tpu.memory_space<vmem_shared>>
        %dma_start3A_332 = arith.constant 0 : i32
        %dma_start3A_333 = tpu.memref_slice %arg14[%multiple_of3A_327, %dma_start3A_332] : memref<4992x128xf32, #tpu.memory_space<vmem_shared>> -> memref<96x128xf32, #tpu.memory_space<vmem_shared>>
        %dma_start3A_334 = arith.constant 0 : i32
        %dma_start3A_335 = arith.constant 0 : i32
        %dma_start3A_336 = tpu.memref_slice %arg8[%dma_start3A_334, %dma_start3A_335] : memref<104x128xf32, #tpu.memory_space<vmem>> -> memref<96x128xf32, #tpu.memory_space<vmem>>
        tpu.enqueue_dma source(%dma_start3A_336 : memref<96x128xf32, #tpu.memory_space<vmem>>) target(%dma_start3A_333 : memref<96x128xf32, #tpu.memory_space<vmem_shared>>) target_semaphore(%arg28 : memref<!tpu.dma_semaphore, #tpu.memory_space<semaphore_mem>>)
      } else {
      }
      %sub3A_234 = arith.constant 4 : i32
      %sub3A_235 = arith.subi %add3A_221, %sub3A_234 : i32
      %sub3A_236 = arith.constant 2 : i32
      %sub3A_237 = arith.subi %sub3A_235, %sub3A_236 : i32
      %ge3A_238 = arith.constant 0 : i32
      %ge3A_239 = arith.cmpi sge, %sub3A_237, %ge3A_238 : i32
      %sub3A_240 = arith.constant 4 : i32
      %sub3A_241 = arith.subi %add3A_221, %sub3A_240 : i32
      %sub3A_242 = arith.constant 2 : i32
      %sub3A_243 = arith.subi %sub3A_241, %sub3A_242 : i32
      %lt3A_244 = arith.constant 64 : i32
      %lt3A_245 = arith.cmpi slt, %sub3A_243, %lt3A_244 : i32
      %and3A_246 = arith.andi %ge3A_239, %lt3A_245 : i1
      %convert_element_type3A_247 = arith.extui %and3A_246 : i1 to i32
      %cond3A_248 = arith.constant 0 : i32
      %cond3A_249 = arith.cmpi ne, %convert_element_type3A_247, %cond3A_248 : i32
      scf.if %cond3A_249 {
        %sub3A_255 = arith.constant 4 : i32
        %sub3A_256 = arith.subi %add3A_221, %sub3A_255 : i32
        %sub3A_257 = arith.constant 2 : i32
        %sub3A_258 = arith.subi %sub3A_256, %sub3A_257 : i32
        %jit3A = arith.constant 2 : i32
        %div3A = arith.divsi %sub3A_258, %jit3A : i32
        %sign3A = arith.constant 0 : i32
        %sign3A_259 = arith.cmpi sgt, %sub3A_258, %sign3A : i32
        %sign3A_260 = arith.extui %sign3A_259 : i1 to i32
        %sign3A_261 = arith.constant 0 : i32
        %sign3A_262 = arith.cmpi slt, %sub3A_258, %sign3A_261 : i32
        %sign3A_263 = arith.extui %sign3A_262 : i1 to i32
        %sign3A_264 = arith.subi %sign3A_260, %sign3A_263 : i32
        %sign3A_265 = arith.constant 0 : i32
        %sign3A_266 = arith.cmpi sgt, %jit3A, %sign3A_265 : i32
        %sign3A_267 = arith.extui %sign3A_266 : i1 to i32
        %sign3A_268 = arith.constant 0 : i32
        %sign3A_269 = arith.cmpi slt, %jit3A, %sign3A_268 : i32
        %sign3A_270 = arith.extui %sign3A_269 : i1 to i32
        %sign3A_271 = arith.subi %sign3A_267, %sign3A_270 : i32
        %ne3A = arith.cmpi ne, %sign3A_264, %sign3A_271 : i32
        %rem3A = arith.remsi %sub3A_258, %jit3A : i32
        %ne3A_272 = arith.constant 0 : i32
        %ne3A_273 = arith.cmpi ne, %rem3A, %ne3A_272 : i32
        %and3A_274 = arith.andi %ne3A, %ne3A_273 : i1
        %sub3A_275 = arith.constant 1 : i32
        %sub3A_276 = arith.subi %div3A, %sub3A_275 : i32
        %select_n3A = arith.select %and3A_274, %sub3A_276, %div3A : i32
        %mul3A_277 = arith.constant 200 : i32
        %mul3A_278 = arith.muli %select_n3A, %mul3A_277 : i32
        %add3A_279 = arith.constant 104 : i32
        %add3A_280 = arith.addi %mul3A_278, %add3A_279 : i32
        %multiple_of3A_281 = tpu.assume_multiple %add3A_280, 8 : i32
        %mul3A_282 = arith.constant 3 : i32
        %mul3A_283 = arith.muli %arg1, %mul3A_282 : i32
        %add3A_284 = arith.constant 2 : i32
        %add3A_285 = arith.addi %mul3A_283, %add3A_284 : i32
        %mul3A_286 = arith.constant 104 : i32
        %mul3A_287 = arith.muli %add3A_285, %mul3A_286 : i32
        %multiple_of3A_288 = tpu.assume_multiple %mul3A_287, 8 : i32
        %dma_wait3A_289 = arith.constant 0 : i32
        %dma_wait3A_290 = arith.constant 0 : i32
        %dma_wait3A_291 = tpu.memref_slice %arg12[%dma_wait3A_289, %dma_wait3A_290] : memref<104x128xf32, #tpu.memory_space<vmem>> -> memref<96x128xf32, #tpu.memory_space<vmem>>
        %dma_wait3A_292 = arith.constant 0 : i32
        %dma_wait3A_293 = tpu.memref_slice %arg14[%multiple_of3A_288, %dma_wait3A_292] : memref<4992x128xf32, #tpu.memory_space<vmem_shared>> -> memref<96x128xf32, #tpu.memory_space<vmem_shared>>
        %dma_wait3A_294 = arith.constant 0 : i32
        %dma_wait3A_295 = tpu.memref_slice %arg14[%multiple_of3A_288, %dma_wait3A_294] : memref<4992x128xf32, #tpu.memory_space<vmem_shared>> -> memref<96x128xf32, #tpu.memory_space<vmem_shared>>
        %dma_wait3A_296 = arith.constant 0 : i32
        %dma_wait3A_297 = arith.constant 0 : i32
        %dma_wait3A_298 = tpu.memref_slice %arg12[%dma_wait3A_296, %dma_wait3A_297] : memref<104x128xf32, #tpu.memory_space<vmem>> -> memref<96x128xf32, #tpu.memory_space<vmem>>
        tpu.wait_dma2 semaphore(%arg29 : memref<!tpu.dma_semaphore, #tpu.memory_space<semaphore_mem>>) src(%dma_wait3A_298 : memref<96x128xf32, #tpu.memory_space<vmem>>) dst(%dma_wait3A_295 : memref<96x128xf32, #tpu.memory_space<vmem_shared>>)
        %mul3A_299 = arith.constant 3 : i32
        %mul3A_300 = arith.muli %arg1, %mul3A_299 : i32
        %add3A_301 = arith.constant 2 : i32
        %add3A_302 = arith.addi %mul3A_300, %add3A_301 : i32
        %mul3A_303 = arith.constant 104 : i32
        %mul3A_304 = arith.muli %add3A_302, %mul3A_303 : i32
        %multiple_of3A_305 = tpu.assume_multiple %mul3A_304, 8 : i32
        %mul3A_306 = arith.constant 6400 : i32
        %mul3A_307 = arith.muli %add3A, %mul3A_306 : i32
        %multiple_of3A_308 = tpu.assume_multiple %mul3A_307, 8 : i32
        %add3A_309 = arith.addi %multiple_of3A_308, %multiple_of3A_281 : i32
        %dma_start3A = arith.constant 0 : i32
        %dma_start3A_310 = tpu.memref_slice %arg5[%add3A_309, %dma_start3A] : memref<204800x128xf32, #tpu.memory_space<hbm>> -> memref<96x128xf32, #tpu.memory_space<hbm>>
        %dma_start3A_311 = arith.constant 0 : i32
        %dma_start3A_312 = tpu.memref_slice %arg14[%multiple_of3A_305, %dma_start3A_311] : memref<4992x128xf32, #tpu.memory_space<vmem_shared>> -> memref<96x128xf32, #tpu.memory_space<vmem_shared>>
        tpu.enqueue_dma source(%dma_start3A_312 : memref<96x128xf32, #tpu.memory_space<vmem_shared>>) target(%dma_start3A_310 : memref<96x128xf32, #tpu.memory_space<hbm>>) target_semaphore(%arg32 : memref<!tpu.dma_semaphore, #tpu.memory_space<semaphore_mem>>)
      } else {
      }
      %lt3A_250 = arith.constant 64 : i32
      %lt3A_251 = arith.cmpi slt, %add3A_221, %lt3A_250 : i32
      %convert_element_type3A_252 = arith.extui %lt3A_251 : i1 to i32
      %cond3A_253 = arith.constant 0 : i32
      %cond3A_254 = arith.cmpi ne, %convert_element_type3A_252, %cond3A_253 : i32
      scf.if %cond3A_254 {
        %jit3A = arith.constant 2 : i32
        %div3A = arith.divsi %add3A_221, %jit3A : i32
        %sign3A = arith.constant 0 : i32
        %sign3A_255 = arith.cmpi sgt, %add3A_221, %sign3A : i32
        %sign3A_256 = arith.extui %sign3A_255 : i1 to i32
        %sign3A_257 = arith.constant 0 : i32
        %sign3A_258 = arith.cmpi slt, %add3A_221, %sign3A_257 : i32
        %sign3A_259 = arith.extui %sign3A_258 : i1 to i32
        %sign3A_260 = arith.subi %sign3A_256, %sign3A_259 : i32
        %sign3A_261 = arith.constant 0 : i32
        %sign3A_262 = arith.cmpi sgt, %jit3A, %sign3A_261 : i32
        %sign3A_263 = arith.extui %sign3A_262 : i1 to i32
        %sign3A_264 = arith.constant 0 : i32
        %sign3A_265 = arith.cmpi slt, %jit3A, %sign3A_264 : i32
        %sign3A_266 = arith.extui %sign3A_265 : i1 to i32
        %sign3A_267 = arith.subi %sign3A_263, %sign3A_266 : i32
        %ne3A = arith.cmpi ne, %sign3A_260, %sign3A_267 : i32
        %rem3A = arith.remsi %add3A_221, %jit3A : i32
        %ne3A_268 = arith.constant 0 : i32
        %ne3A_269 = arith.cmpi ne, %rem3A, %ne3A_268 : i32
        %and3A_270 = arith.andi %ne3A, %ne3A_269 : i1
        %sub3A_271 = arith.constant 1 : i32
        %sub3A_272 = arith.subi %div3A, %sub3A_271 : i32
        %select_n3A = arith.select %and3A_270, %sub3A_272, %div3A : i32
        %mul3A_273 = arith.constant 200 : i32
        %mul3A_274 = arith.muli %select_n3A, %mul3A_273 : i32
        %add3A_275 = arith.constant 104 : i32
        %add3A_276 = arith.addi %mul3A_274, %add3A_275 : i32
        %multiple_of3A_277 = tpu.assume_multiple %add3A_276, 8 : i32
        %dma_start3A = arith.constant 0 : i32
        %dma_start3A_278 = arith.constant 0 : i32
        %dma_start3A_279 = tpu.memref_slice %arg12[%dma_start3A, %dma_start3A_278] : memref<104x128xf32, #tpu.memory_space<vmem>> -> memref<96x128xf32, #tpu.memory_space<vmem>>
        %dma_start3A_280 = arith.constant 104 : i32
        %dma_start3A_281 = arith.constant 0 : i32
        %dma_start3A_282 = tpu.memref_slice %arg13[%dma_start3A_280, %dma_start3A_281] : memref<200x128xf32, #tpu.memory_space<vmem_shared>> -> memref<96x128xf32, #tpu.memory_space<vmem_shared>>
        %dma_start3A_283 = arith.constant 0 : i32
        %dma_start3A_284 = arith.constant 0 : i32
        %dma_start3A_285 = tpu.memref_slice %arg12[%dma_start3A_283, %dma_start3A_284] : memref<104x128xf32, #tpu.memory_space<vmem>> -> memref<96x128xf32, #tpu.memory_space<vmem>>
        %dma_start3A_286 = arith.constant 104 : i32
        %dma_start3A_287 = arith.constant 0 : i32
        %dma_start3A_288 = tpu.memref_slice %arg13[%dma_start3A_286, %dma_start3A_287] : memref<200x128xf32, #tpu.memory_space<vmem_shared>> -> memref<96x128xf32, #tpu.memory_space<vmem_shared>>
        tpu.enqueue_dma source(%dma_start3A_288 : memref<96x128xf32, #tpu.memory_space<vmem_shared>>) target(%dma_start3A_285 : memref<96x128xf32, #tpu.memory_space<vmem>>) target_semaphore(%arg20 : memref<!tpu.dma_semaphore, #tpu.memory_space<semaphore_mem>>)
        %dma_wait3A_289 = arith.constant 0 : i32
        %dma_wait3A_290 = arith.constant 0 : i32
        %dma_wait3A_291 = tpu.memref_slice %arg12[%dma_wait3A_289, %dma_wait3A_290] : memref<104x128xf32, #tpu.memory_space<vmem>> -> memref<96x128xf32, #tpu.memory_space<vmem>>
        %dma_wait3A_292 = arith.constant 104 : i32
        %dma_wait3A_293 = arith.constant 0 : i32
        %dma_wait3A_294 = tpu.memref_slice %arg13[%dma_wait3A_292, %dma_wait3A_293] : memref<200x128xf32, #tpu.memory_space<vmem_shared>> -> memref<96x128xf32, #tpu.memory_space<vmem_shared>>
        %dma_wait3A_295 = arith.constant 0 : i32
        %dma_wait3A_296 = arith.constant 0 : i32
        %dma_wait3A_297 = tpu.memref_slice %arg12[%dma_wait3A_295, %dma_wait3A_296] : memref<104x128xf32, #tpu.memory_space<vmem>> -> memref<96x128xf32, #tpu.memory_space<vmem>>
        %dma_wait3A_298 = arith.constant 104 : i32
        %dma_wait3A_299 = arith.constant 0 : i32
        %dma_wait3A_300 = tpu.memref_slice %arg13[%dma_wait3A_298, %dma_wait3A_299] : memref<200x128xf32, #tpu.memory_space<vmem_shared>> -> memref<96x128xf32, #tpu.memory_space<vmem_shared>>
        tpu.wait_dma2 semaphore(%arg20 : memref<!tpu.dma_semaphore, #tpu.memory_space<semaphore_mem>>) src(%dma_wait3A_300 : memref<96x128xf32, #tpu.memory_space<vmem_shared>>) dst(%dma_wait3A_297 : memref<96x128xf32, #tpu.memory_space<vmem>>)
        %jit3A_301 = arith.constant 2 : i32
        %div3A_302 = arith.divsi %add3A_221, %jit3A_301 : i32
        %sign3A_303 = arith.constant 0 : i32
        %sign3A_304 = arith.cmpi sgt, %add3A_221, %sign3A_303 : i32
        %sign3A_305 = arith.extui %sign3A_304 : i1 to i32
        %sign3A_306 = arith.constant 0 : i32
        %sign3A_307 = arith.cmpi slt, %add3A_221, %sign3A_306 : i32
        %sign3A_308 = arith.extui %sign3A_307 : i1 to i32
        %sign3A_309 = arith.subi %sign3A_305, %sign3A_308 : i32
        %sign3A_310 = arith.constant 0 : i32
        %sign3A_311 = arith.cmpi sgt, %jit3A_301, %sign3A_310 : i32
        %sign3A_312 = arith.extui %sign3A_311 : i1 to i32
        %sign3A_313 = arith.constant 0 : i32
        %sign3A_314 = arith.cmpi slt, %jit3A_301, %sign3A_313 : i32
        %sign3A_315 = arith.extui %sign3A_314 : i1 to i32
        %sign3A_316 = arith.subi %sign3A_312, %sign3A_315 : i32
        %ne3A_317 = arith.cmpi ne, %sign3A_309, %sign3A_316 : i32
        %rem3A_318 = arith.remsi %add3A_221, %jit3A_301 : i32
        %ne3A_319 = arith.constant 0 : i32
        %ne3A_320 = arith.cmpi ne, %rem3A_318, %ne3A_319 : i32
        %and3A_321 = arith.andi %ne3A_317, %ne3A_320 : i1
        %sub3A_322 = arith.constant 1 : i32
        %sub3A_323 = arith.subi %div3A_302, %sub3A_322 : i32
        %select_n3A_324 = arith.select %and3A_321, %sub3A_323, %div3A_302 : i32
        %mul3A_325 = arith.constant 200 : i32
        %mul3A_326 = arith.muli %select_n3A_324, %mul3A_325 : i32
        %add3A_327 = arith.constant 104 : i32
        %add3A_328 = arith.addi %mul3A_326, %add3A_327 : i32
        %multiple_of3A_329 = tpu.assume_multiple %add3A_328, 8 : i32
        %dma_start3A_330 = arith.constant 0 : i32
        %dma_start3A_331 = arith.constant 0 : i32
        %dma_start3A_332 = tpu.memref_slice %arg12[%dma_start3A_330, %dma_start3A_331] : memref<104x128xf32, #tpu.memory_space<vmem>> -> memref<96x128xf32, #tpu.memory_space<vmem>>
        %dma_start3A_333 = tpu.memref_slice %arg6[%multiple_of3A_329] : memref<6400xi32, #tpu.memory_space<vmem>> -> memref<96xi32, #tpu.memory_space<vmem>>
        %dma_start3A_334 = arith.constant 0 : i32
        %dma_start3A_335 = arith.constant 0 : i32
        %dma_start3A_336 = tpu.memref_slice %arg3[%dma_start3A_334, %dma_start3A_335] : memref<100000x128xf32, #tpu.memory_space<hbm>> -> memref<100000x128xf32, #tpu.memory_space<hbm>>
        tpu.enqueue_indirect_dma source(%dma_start3A_336 : memref<100000x128xf32, #tpu.memory_space<hbm>>) target(%dma_start3A_332 : memref<96x128xf32, #tpu.memory_space<vmem>>) offsets(%dma_start3A_333 : memref<96xi32, #tpu.memory_space<vmem>>) semaphore(%arg26 : memref<!tpu.dma_semaphore, #tpu.memory_space<semaphore_mem>>) {add = true}
      } else {
      }
    }
    %scan3A_8 = arith.constant 13 : i32
    %mul3A_9 = arith.constant 3 : i32
    %mul3A_10 = arith.muli %arg1, %mul3A_9 : i32
    %add3A_11 = arith.constant 1 : i32
    %add3A_12 = arith.addi %mul3A_10, %add3A_11 : i32
    %mul3A_13 = arith.constant 104 : i32
    %mul3A_14 = arith.muli %add3A_12, %mul3A_13 : i32
    %multiple_of3A_15 = tpu.assume_multiple %mul3A_14, 8 : i32
    %dma_wait3A = arith.constant 0 : i32
    %dma_wait3A_16 = arith.constant 0 : i32
    %dma_wait3A_17 = tpu.memref_slice %arg5[%dma_wait3A, %dma_wait3A_16] : memref<204800x128xf32, #tpu.memory_space<hbm>> -> memref<96x128xf32, #tpu.memory_space<hbm>>
    %dma_wait3A_18 = arith.constant 0 : i32
    %dma_wait3A_19 = tpu.memref_slice %arg14[%multiple_of3A_15, %dma_wait3A_18] : memref<4992x128xf32, #tpu.memory_space<vmem_shared>> -> memref<96x128xf32, #tpu.memory_space<vmem_shared>>
    tpu.wait_dma2 semaphore(%arg31 : memref<!tpu.dma_semaphore, #tpu.memory_space<semaphore_mem>>) src(%dma_wait3A_19 : memref<96x128xf32, #tpu.memory_space<vmem_shared>>) dst(%dma_wait3A_17 : memref<96x128xf32, #tpu.memory_space<hbm>>)
    %mul3A_20 = arith.constant 3 : i32
    %mul3A_21 = arith.muli %arg1, %mul3A_20 : i32
    %add3A_22 = arith.constant 2 : i32
    %add3A_23 = arith.addi %mul3A_21, %add3A_22 : i32
    %mul3A_24 = arith.constant 104 : i32
    %mul3A_25 = arith.muli %add3A_23, %mul3A_24 : i32
    %multiple_of3A_26 = tpu.assume_multiple %mul3A_25, 8 : i32
    %dma_wait3A_27 = arith.constant 0 : i32
    %dma_wait3A_28 = arith.constant 0 : i32
    %dma_wait3A_29 = tpu.memref_slice %arg5[%dma_wait3A_27, %dma_wait3A_28] : memref<204800x128xf32, #tpu.memory_space<hbm>> -> memref<104x128xf32, #tpu.memory_space<hbm>>
    %dma_wait3A_30 = arith.constant 0 : i32
    %dma_wait3A_31 = tpu.memref_slice %arg14[%multiple_of3A_26, %dma_wait3A_30] : memref<4992x128xf32, #tpu.memory_space<vmem_shared>> -> memref<104x128xf32, #tpu.memory_space<vmem_shared>>
    tpu.wait_dma2 semaphore(%arg32 : memref<!tpu.dma_semaphore, #tpu.memory_space<semaphore_mem>>) src(%dma_wait3A_31 : memref<104x128xf32, #tpu.memory_space<vmem_shared>>) dst(%dma_wait3A_29 : memref<104x128xf32, #tpu.memory_space<hbm>>)
    %mul3A_32 = arith.constant 3 : i32
    %mul3A_33 = arith.muli %arg1, %mul3A_32 : i32
    %add3A_34 = arith.constant 0 : i32
    %add3A_35 = arith.addi %mul3A_33, %add3A_34 : i32
    %mul3A_36 = arith.constant 104 : i32
    %mul3A_37 = arith.muli %add3A_35, %mul3A_36 : i32
    %multiple_of3A_38 = tpu.assume_multiple %mul3A_37, 8 : i32
    %dma_wait3A_39 = arith.constant 0 : i32
    %dma_wait3A_40 = arith.constant 0 : i32
    %dma_wait3A_41 = tpu.memref_slice %arg5[%dma_wait3A_39, %dma_wait3A_40] : memref<204800x128xf32, #tpu.memory_space<hbm>> -> memref<96x128xf32, #tpu.memory_space<hbm>>
    %dma_wait3A_42 = arith.constant 0 : i32
    %dma_wait3A_43 = tpu.memref_slice %arg14[%multiple_of3A_38, %dma_wait3A_42] : memref<4992x128xf32, #tpu.memory_space<vmem_shared>> -> memref<96x128xf32, #tpu.memory_space<vmem_shared>>
    tpu.wait_dma2 semaphore(%arg30 : memref<!tpu.dma_semaphore, #tpu.memory_space<semaphore_mem>>) src(%dma_wait3A_43 : memref<96x128xf32, #tpu.memory_space<vmem_shared>>) dst(%dma_wait3A_41 : memref<96x128xf32, #tpu.memory_space<hbm>>)
    return
  }
}

</mosaic_0001>

<sc_bundles>
// kernel: kernel.3.cloned.1.call-start
scs
__scs_entry_jumppad:
0x0: {  	(pc) =	sbr.rel $0x88, $3  }
0x1: {  	(tag) =	ssettag $0x0;
	lr =	simm.s32 $0x1  }
0x2: {  	[smem:$0x3F9E] =	sst lr;
	_ =	strace $0xD0000000  }
0x3: {  	_ = 	snop  }
0x4: {  	_ = 	snop  }
0x5: {  	_ = 	snop  }
0x6: {  	_ = 	snop  }
0x7: {  	_ = 	snop  }
__scs_overlays_trampoline_lowered:
0x8: {  	[smem:$0x3FAD] =	sst s0  }
0x9: {  	[smem:$0x3FAE] =	sst s1  }
0xa: {  	[smem:$0x3FAF] =	sst s2  }
0xb: {  	[smem:$0x3FB0] =	sst s3  }
0xc: {  	[smem:$0x3FB1] =	sst s4  }
0xd: {  	[smem:$0x3FB2] =	sst s5  }
0xe: {  	[smem:$0x3FB3] =	sst s6  }
0xf: {  	[smem:$0x3FB4] =	sst s7  }
0x10: {  	[smem:$0x3FB5] =	sst s8  }
0x11: {  	[smem:$0x3FB6] =	sst s9;
	s0 =	simm.s32 @!p0 $0x0  }
0x12: {  	s1 =	sld [smem:$0x3F9C];
	s0 =	simm.s32 @p0 $0x1  }
0x13: {  	[smem:$0x3FB7] =	sst s0;
	s0 =	simm.s32 @!p1 $0x0  }
0x14: {  	s2 =	sld [smem:$0x3F9B];
	s0 =	simm.s32 @p1 $0x1  }
0x15: {  	[smem:$0x3FB8] =	sst s0;
	s0 =	simm.s32 @!p2 $0x0  }
0x16: {  	s3 =	sld [smem:$0x3FDB];
	s0 =	simm.s32 @p2 $0x1  }
0x17: {  	s4 =	simm.s32 $0x1BF5;
	[smem:$0x3FBA] =	sst s0  }
0x18: {  	s0 =	sld [smem:$0x3F9D];
	_ =	swait.ge [sflag:s4], $0x0  }
0x19: {  	s7 =	sld [smem:$0x3F9E]  }
0x1a: {  	s8 =	sadd.s32 $0xFFFFE003, lr  }
0x1b: {  	s9 =	sadd.s32 $0xFFFFFEF7, lr;
	s5 =	simm.s32 $0xFFFFFFFF;
	p2 =	slt.u32 s8, $0xFFFFF086  }
0x1c: {  	p1 =	slt.u32 s9, $0xF7A;
	s5 =	simm.s32 @!p2 $0x0  }
0x1d: {  	s5 =	simm.s32 @p1 $0x1;
	p0 =	seq.s32 s7, s2  }
0x1e: {  	s7 =	smul.u32 @!p0 $0xF7A, s2;
	p2 =	seq.s32 @!p0 s5, $0x0  }
0x1f: {  	s9 =	smul.u32 $0xF7A, s1;
	s8 =	simm.s32 @!p0 $0x1BF5;
	p2 =	por !p2, p0  }
0x20: {  	[sflag:s8] =	ssyncset.s32 @!p0 $0xFFFFF086;
	s6 =	sadd.s32 @!p0 s3, s7;
	s7 =	simm.s32 @!p0 $0x108  }
0x21: {  	s3 =	sadd.s32 s3, s9;
	s6 =	sadd.s32 @!p0 $0x88, s6;
	s7 =	simm.s32 @p2 $0x1082  }
0x22: {  	[simem:s7], [sflag:s8] =	dma.local @!p0 [hbm:s6], $0xF7A  }
0x23: {  	s9 =	sor.u32 $0xD0000000, s2;
	s6 =	simm.s32 $0x108;
	_ =	swait.ge @!p0 [sflag:s8], $0x0  }
0x24: {  	s3 =	sadd.s32 $0x88, s3;
	s6 =	simm.s32 @!p1 $0x1082;
	[sflag:s4] =	ssyncset.s32 $0xFFFFF086  }
0x25: {  	[simem:s6], [sflag:s4] =	dma.local [hbm:s3], $0xF7A  }
0x26: {  	[smem:$0x3F9E] =	sst s1;
	(tag) =	ssettag s2;
	_ =	strace s9  }
0x27: {  	s1 =	sld [smem:$0x3FAE]  }
0x28: {  	s2 =	sld [smem:$0x3FAF]  }
0x29: {  	s4 =	sld [smem:$0x3FB1]  }
0x2a: {  	p0 =	seq.s32 s5, $0x0;
	s5 =	sld [smem:$0x3FB2]  }
0x2b: {  	s6 =	sld [smem:$0x3FB3]  }
0x2c: {  	s7 =	sld [smem:$0x3FB4]  }
0x2d: {  	s3 =	simm.s32 $0x108;
	s8 =	sld [smem:$0x3FB5]  }
0x2e: {  	s3 =	simm.s32 @!p0 $0x1082;
	s9 =	sld [smem:$0x3FB6]  }
0x2f: {  	lr =	sadd.s32 s0, s3;
	s0 =	sld [smem:$0x3FAD]  }
0x30: {  	s3 =	sld [smem:$0x3FB0]  }
0x31: {  	[smem:$0x3FB9] =	sst s10  }
0x32: {  	s10 =	sld [smem:$0x3FB7];
	_ =	sdelay $0x3  }
0x33: {  	p0 =	seq.s32 s10, $0x1;
	s10 =	sld [smem:$0x3FB9];
	_ =	sdelay $0x3  }
0x34: {  	[smem:$0x3FB9] =	sst s10  }
0x35: {  	s10 =	sld [smem:$0x3FB8];
	_ =	sdelay $0x3  }
0x36: {  	p1 =	seq.s32 s10, $0x1;
	s10 =	sld [smem:$0x3FB9];
	_ =	sdelay $0x3  }
0x37: {  	[smem:$0x3FB9] =	sst s10  }
0x38: {  	s10 =	sld [smem:$0x3FBA]  }
0x39: {  	_ = 	snop;
	(pc) =	sbr.ind lr, $3  }
0x3a: {  	_ = 	snop  }
0x3b: {  	_ = 	snop  }
0x3c: {  	p2 =	seq.s32 s10, $0x1;
	s10 =	sld [smem:$0x3FB9]  }
0x3d: {  	_ =	shalt  }
0x3e: {  	_ =	shalt  }
0x3f: {  	_ =	shalt  }
0x40: {  	_ =	shalt  }
0x41: {  	_ =	shalt  }
0x42: {  	_ =	shalt  }
0x43: {  	_ =	shalt  }
0x44: {  	_ =	shalt  }
0x45: {  	_ =	shalt  }
0x46: {  	_ =	shalt  }
0x47: {  	_ =	shalt  }
0x48: {  	_ =	shalt  }
0x49: {  	_ =	shalt  }
0x4a: {  	_ =	shalt  }
0x4b: {  	_ =	shalt  }
0x4c: {  	_ =	shalt  }
0x4d: {  	_ =	shalt  }
0x4e: {  	_ =	shalt  }
0x4f: {  	_ =	shalt  }
0x50: {  	_ =	shalt  }
0x51: {  	_ =	shalt  }
0x52: {  	_ =	shalt  }
0x53: {  	_ =	shalt  }
0x54: {  	_ =	shalt  }
0x55: {  	_ =	shalt  }
0x56: {  	_ =	shalt  }
0x57: {  	_ =	shalt  }
0x58: {  	_ =	shalt  }
0x59: {  	_ =	shalt  }
0x5a: {  	_ =	shalt  }
0x5b: {  	_ =	shalt  }
0x5c: {  	_ =	shalt  }
0x5d: {  	_ =	shalt  }
0x5e: {  	_ =	shalt  }
0x5f: {  	_ =	shalt  }
0x60: {  	_ =	shalt  }
0x61: {  	_ =	shalt  }
0x62: {  	_ =	shalt  }
0x63: {  	_ =	shalt  }
0x64: {  	_ =	shalt  }
0x65: {  	_ =	shalt  }
0x66: {  	_ =	shalt  }
0x67: {  	_ =	shalt  }
0x68: {  	_ =	shalt  }
0x69: {  	_ =	shalt  }
0x6a: {  	_ =	shalt  }
0x6b: {  	_ =	shalt  }
0x6c: {  	_ =	shalt  }
0x6d: {  	_ =	shalt  }
0x6e: {  	_ =	shalt  }
0x6f: {  	_ =	shalt  }
0x70: {  	_ =	shalt  }
0x71: {  	_ =	shalt  }
0x72: {  	_ =	shalt  }
0x73: {  	_ =	shalt  }
0x74: {  	_ =	shalt  }
0x75: {  	_ =	shalt  }
0x76: {  	_ =	shalt  }
0x77: {  	_ =	shalt  }
0x78: {  	_ =	shalt  }
0x79: {  	_ =	shalt  }
0x7a: {  	_ =	shalt  }
0x7b: {  	_ =	shalt  }
0x7c: {  	_ =	shalt  }
0x7d: {  	_ =	shalt  }
0x7e: {  	_ =	shalt  }
0x7f: {  	_ =	shalt  }
0x80: {  	_ =	shalt  }
0x81: {  	_ =	shalt  }
0x82: {  	_ =	shalt  }
0x83: {  	_ =	shalt  }
0x84: {  	_ =	shalt  }
0x85: {  	_ =	shalt  }
0x86: {  	_ =	shalt  }
0x87: {  	_ =	shalt  }
.Lfunc_end0:
.L_simem_size_0:
called_computation_lowered:
.L_overlay_start_0:
0x88: {  	s2 =	sld [smem:$0x3FD9]  }
0x89: {  	s3 =	sld [smem:$0x3FFE];
	_ =	sdelay $0x1  }
0x8a: {  	s1 =	srdreg.scid  }
0x8b: {  	s0 =	sand.u32 $0x1, s1  }
0x8c: {  	s17 =	sshll.u32 s0, $0xA;
	s2 =	sadd.s32 s3, s2  }
0x8d: {  	s2 =	sadd.s32 s2, s17  }
0x8e: {  	[smem:$0x3FC5] =	sst s2  }
0x8f: {  	_ = 	snop  }
0x90: {  	s2 =	sld [smem:$0x3FC8]  }
0x91: {  	s18 =	sld [smem:$0x3FC7]  }
0x92: {  	s4 =	sld [smem:$0x3FD0];
	(tm) =	ssettm $0x1  }
0x93: {  	s5 =	sld [smem:$0x3FFB];
	_ =	sdelay $0x3  }
0x94: {  	_ =	strace s5  }
0x95: {  	s5 =	sld [smem:$0x3FFC];
	_ =	sdelay $0x3  }
0x96: {  	_ =	strace s5  }
0x97: {  	s5 =	sld [smem:$0x3FFD];
	_ =	sdelay $0x3  }
0x98: {  	_ =	strace s5  }
0x99: {  	_ =	strace $0x8FFFFFFF  }
0x9a: {  	s19 =	sld [smem:$0x3FDB];
	_ =	sdelay $0x1  }
0x9b: {  	s6 =	simm.s32 $_scs_section_size  }
0x9c: {  	s7 =	simm.s32 $_size__tile_overlayer_lowered;
	s8 =	simm.s32 $_tile_overlayer_lowered  }
0x9d: {  	s22 =	simm.s32 $0x1BFF;
	s21 =	sshll.u32 s8, $0x1;
	s5 =	sadd.s32 s6, s19  }
0x9e: {  	s9 =	simm.s32 $0x0;
	s20 =	sshll.u32 s7, $0x1;
	s7 =	sadd.s32 s21, s5  }
0x9f: {  	[timem:s9], [sflag:s22] =	dma.local [hbm:s7], s20  }
0xa0: {  	_ =	swait.ge [sflag:s22], s20  }
0xa1: {  	s6 =	ssub.s32 $0x0, s20;
	[sflag:s22] =	ssyncset.done $0x0  }
0xa2: {  	[sflag:s22] =	ssyncadd.s32 s6;
	_ =	sdelay $0x1  }
0xa3: {  	s23 =	simm.s32 $0x1B8B  }
0xa4: {  	_ =	swait.ge [sflag:s23], $0x1  }
0xa5: {  	[sflag:s23] =	ssyncset.done $0x0  }
0xa6: {  	s25 =	simm.s32 $0x1B8E;
	s24 =	sld [smem:$0x3FFE];
	[sflag:s23] =	ssyncadd.s32 $0xFFFFFFFF  }
0xa7: {  	s26 =	simm.s32 $execute0_lowered;
	[smem:$0x3FD2] =	sst s25  }
0xa8: {  	s7 =	sshll.u32 s26, $0x1;
	_ =	strace $0x80000046;
	[dreg:$0x1] =	wrdreg $0xFFFFFFFF  }
0xa9: {  	s28 =	simm.s32 $_size_execute0_lowered;
	s5 =	sadd.s32 s5, s7;
	[dreg:$0x0] =	wrdreg $0x0  }
0xaa: {  	s7 =	sshll.u32 s28, $0x1;
	[dreg:$0x2] =	wrdreg s5  }
0xab: {  	[dreg:$0x3] =	wrdreg s7  }
0xac: {  	[dreg:$0x4] =	wrdreg $0xC0  }
0xad: {  	_ =	task [dreg:s9], $0x5FFFF  }
0xae: {  	[dreg:$0x1] =	wrdreg $0xFFFFFFFF  }
0xaf: {  	[dreg:$0x0] =	wrdreg $0x60  }
0xb0: {  	[dreg:$0x2] =	wrdreg s24  }
0xb1: {  	[dreg:$0x3] =	wrdreg s2  }
0xb2: {  	[dreg:$0x4] =	wrdreg s18  }
0xb3: {  	[dreg:$0x5] =	wrdreg s4  }
0xb4: {  	[dreg:$0x6] =	wrdreg $0x151000  }
0xb5: {  	[dreg:$0x7] =	wrdreg $0x157400  }
0xb6: {  	[dreg:$0x8] =	wrdreg $0x9  }
0xb7: {  	_ =	task.clear_ibuf [dreg:s9], $0x9FFFF;
	_ =	strace $0x90000046  }
0xb8: {  	s29 =	simm.s32 $0x9;
	_ =	strace $0x80000048  }
0xb9: {  	_ =	swait.ge [sflag:s29], $0x1  }
0xba: {  	[sflag:s29] =	ssyncadd.s32 $0xFFFFFFFF  }
0xbb: {  	_ =	strace $0x90000048  }
0xbc: {  	_ =	sfence  }
0xbd: {  	s30 =	sld [smem:$0x0];
	_ =	sdelay $0x2  }
0xbe: {  	s31 =	sshll.u32 s1, $0xD;
	s1 =	sshrl.u32 s1, $0x2  }
0xbf: {  	s3 =	sand.u32 $0x4000, s31;
	s1 =	sadd.s32 s1, s30  }
0xc0: {  	s0 =	sor.u32 s3, s0;
	s1 =	sshll.u32 s1, $0x11  }
0xc1: {  	s0 =	sor.u32 s1, s0  }
0xc2: {  	s0 =	sadd.s32 $0x8F2B, s0  }
0xc3: {  	[sflag:s0] =	ssyncadd.remote.s32 $0x1  }
0xc4: {  	_ =	sfence.sel $0xFFFF  }
0xc5: {  	[dreg:$0x0] =	wrdreg $0xFFFFFFFF;
	(pc) =	sbr.abs _section_cstart, $3  }
0xc6: {  	[dreg:$0x1] =	wrdreg $0xFFFFFFFF  }
0xc7: {  	_ =	task.clear_ibuf [dreg:s9], $0x2FFFF;
	_ =	strace $0x9FFFFFFF  }
0xc8: {  	(tm) =	ssettm $0x7FFFFFFF  }
0xc9: {  	_ =	shalt  }
tec
execute0_lowered:
.L_overlay_start_1:
0x0: {  	(tag) =	ssettag $0x1  }
0x1: {  	s1 =	rddreg [dreg:$0x0]  }
0x2: {  	s0 =	rddreg [dreg:$0x1]  }
0x3: {  	s10 =	rddreg [dreg:$0x2]  }
0x4: {  	s2 =	rddreg [dreg:$0x3]  }
0x5: {  	s4 =	srdreg.scid;
	s5 =	rddreg [dreg:$0x4]  }
0x6: {  	s3 =	stileid.u32;
	s8 =	rddreg [dreg:$0x5];
	s9 =	simm.s32 $0x0  }
0x7: {  	s16 =	simm.s32 $0x13;
	s17 =	simm.s32 $0xE900;
	s18 =	simm.s32 $0x5  }
0x8: {  	s19 =	simm.s32 $0x68;
	s20 =	simm.s32 $0x8;
	s21 =	simm.s32 $0x4D00  }
0x9: {  	s22 =	simm.s32 $0x11;
	s23 =	simm.s32 $0x12;
	s24 =	simm.s32 $0x10  }
0xa: {  	s25 =	simm.s32 $0x0;
	s4 =	sand.u32 $0x1, s4;
	s6 =	sshll.u32 s3, $0x1  }
0xb: {  	[smem:$0x7FF] =	sst s9;
	s26 =	smul.u32 $0x27000, s3;
	s30 =	sadd.s32 $0x680, s10  }
0xc: {  	s10 =	sadd.s32 $0x3400, s5;
	p0 =	sne.s32 s3, $0x0;
	s6 =	sor.u32 s4, s6  }
0xd: {  	s4 =	ssub.s32 $0x2, s4;
	_ =	strace $0x80000047;
	s7 =	smul.u32 $0x1900, s6  }
.Ltmp0:
0xe: {  	[dreg:$0x8] =	wrdreg s30;
	s28 =	sshrl.u32 s4, $0x1;
	(pc) =	sbr.rel .LBB2_1-.Ltmp0, $4  }
0xf: {  	s29 =	sshrl.u32 s26, $0x2;
	s4 =	ssub.s32 s4, s28;
	s6 =	sshrl.u32 s7, $0x3  }
0x10: {  	s11 =	sadd.s32 s29, s8;
	s31 =	smax.u32 s4, $0x1;
	s1 =	sadd.s32 s6, s1  }
0x11: {  	s12 =	sadd.s32 $0x6800, s11;
	[dreg:$0x9] =	wrdreg s31;
	s1 =	sadd.s32 $0x400, s1  }
0x12: {  	s13 =	sor.u32 $0x68, s7;
	s14 =	sadd.s32 $0x3400, s11;
	[dreg:$0x7] =	wrdreg s1  }
.LBB2_8:
0x13: {  	_ =	swait.ge [sflag:s22], $0x600  }
0x14: {  	[sflag:s22] =	ssyncset.done $0x0  }
0x15: {  	[sflag:s22] =	ssyncadd.s32 $0xFFFFFA00  }
0x16: {  	_ =	swait.ge [sflag:s23], $0x680  }
0x17: {  	[sflag:s23] =	ssyncset.done $0x0  }
0x18: {  	[sflag:s23] =	ssyncadd.s32 $0xFFFFF980  }
0x19: {  	_ =	swait.ge [sflag:s24], $0x600  }
0x1a: {  	s25 =	sadd.s32 $0x1, s25;
	s1 =	rddreg [dreg:$0x9]  }
0x1b: {  	p1 =	sne.s32 s25, s1  }
.Ltmp1:
0x1c: {  	_ = 	snop;
	(pc) =	sbr.rel @!p1 .LBB2_9-.Ltmp1, $3  }
0x1d: {  	_ =	sdelay $0x1  }
0x1e: {  	[sflag:s24] =	ssyncset.done $0x0  }
0x1f: {  	[sflag:s24] =	ssyncadd.s32 $0xFFFFFA00  }
.LBB2_1:
0x20: {  	s1 =	simm.s32 $0x0;
	s4 =	rddreg [dreg:$0x7]  }
0x21: {  	[tilespmem:s1], [sflag:$0x13] =	stream.linear.gather [hbm4b:s4+s1], $0x1900, $0x38;
	[tilespmem:$0x1F340] =	vst v63  }
0x22: {  	_ =	swait.ge [sflag:s16], $0x1900  }
0x23: {  	[sflag:s16] =	ssyncset.done $0x0  }
0x24: {  	[sflag:s16] =	ssyncadd.s32 $0xFFFFE700  }
0x25: {  	s1 =	simm.s32 @!p0 $0x0;
	s4 =	simm.s32 @!p0 $0x1900;
	s6 =	rddreg [dreg:$0x2]  }
0x26: {  	[tilespmem:s4], [sflag:$0x13] =	stream.linear.gather @!p0 [hbm4b:s6+s1], $0x3400, $0x38;
	[tilespmem:$0x1F340] =	vst v63  }
0x27: {  	s6 =	simm.s32 @!p0 $0x13  }
0x28: {  	_ =	swait.ge @!p0 [sflag:s6], $0x3400  }
0x29: {  	[sflag:s6] =	ssyncset.done @!p0 $0x0  }
0x2a: {  	[sflag:s6] =	ssyncadd.s32 @!p0 $0xFFFFCC00  }
0x2b: {  	[spmem:s5] =	stream.linear.scatter @!p0 [tilespmem:s4], [sflag:$0x13], $0x3400, $0x38;
	[tilespmem:$0x1F340] =	vst v63  }
0x2c: {  	_ =	swait.ge @!p0 [sflag:s6], $0x3400  }
0x2d: {  	[sflag:s6] =	ssyncset.done @!p0 $0x0  }
0x2e: {  	s4 =	simm.s32 @!p0 $0x4D00;
	s8 =	rddreg [dreg:$0x8];
	[sflag:s6] =	ssyncadd.s32 @!p0 $0xFFFFCC00  }
0x2f: {  	[tilespmem:s4], [sflag:$0x13] =	stream.linear.gather @!p0 [hbm4b:s8+s1], $0x3000, $0x38;
	[tilespmem:$0x1F340] =	vst v63  }
0x30: {  	_ =	swait.ge @!p0 [sflag:s6], $0x3000  }
0x31: {  	[sflag:s6] =	ssyncset.done @!p0 $0x0  }
0x32: {  	[sflag:s6] =	ssyncadd.s32 @!p0 $0xFFFFD000  }
0x33: {  	[spmem:s10] =	stream.linear.scatter @!p0 [tilespmem:s4], [sflag:$0x13], $0x3000, $0x38;
	[tilespmem:$0x1F340] =	vst v63  }
.Ltmp2:
0x34: {  	_ =	swait.ge @!p0 [sflag:s6], $0x3000;
	(pc) =	sbr.rel .LBB2_2-.Ltmp2, $4  }
0x35: {  	[sflag:s6] =	ssyncset.done @!p0 $0x0  }
0x36: {  	[sflag:s6] =	ssyncadd.s32 @!p0 $0xFFFFD000  }
0x37: {  	[bflag:$0x0] =	sbarrier.arrive $0xFFFF  }
0x38: {  	s26 =	simm.s32 $0xFFFFFFFA;
	s28 =	simm.s32 $0x1F8;
	s29 =	simm.s32 $0x0  }
.LBB2_5:
0x39: {  	_ =	swait.ge [sflag:s22], $0x680  }
0x3a: {  	[sflag:s22] =	ssyncset.done $0x0  }
0x3b: {  	[sflag:s22] =	ssyncadd.s32 $0xFFFFF980  }
.LBB2_6:
0x3c: {  	_ =	swait.ge [sflag:s20], $0x3000  }
0x3d: {  	[sflag:s20] =	ssyncset.done $0x0  }
0x3e: {  	[sflag:s20] =	ssyncadd.s32 $0xFFFFD000  }
0x3f: {  	[spmem:s14] =	stream.linear.scatter [tilespmem:s21], [sflag:$0xE], $0x3000, $0x38;
	[tilespmem:$0x1F340] =	vst v63  }
.LBB2_7:
0x40: {  	s1 =	sshrl.u32 @!p2 s31, $0x1  }
0x41: {  	s4 =	simm.s32 @!p2 $0xF;
	s1 =	smul.u32 @!p2 $0xC8, s1  }
0x42: {  	_ =	swait.ge @!p2 [sflag:s4], $0x3000  }
0x43: {  	s6 =	sshrl.u32 @!p2 s12, $0x3;
	[sflag:s4] =	ssyncset.done @!p2 $0x0;
	s1 =	sadd.s32 @!p2 s1, s13  }
0x44: {  	[sflag:s4] =	ssyncadd.s32 @!p2 $0xFFFFD000;
	s4 =	sshll.u32 @!p2 s3, $0x6;
	s1 =	sshll.u32 @!p2 s1, $0x4  }
0x45: {  	p1 =	sgt.u32 s29, $0x9;
	s4 =	sor.u32 @!p2 $0x1C12, s4;
	s1 =	sadd.s32 @!p2 s2, s1  }
0x46: {  	[hbm:s1], [sflag:s4] =	dma.local @!p2 [spmem:s6], $0x600  }
0x47: {  	s1 =	simm.s32 @!p1 $0x11D00;
	s4 =	simm.s32 @!p1 $0x6  }
0x48: {  	[tilespmem:s1], [sflag:$0x6] =	stream.linear.gather @!p1 [spmem:s10], $0x3000, $0x38;
	[tilespmem:$0x1F340] =	vst v63  }
0x49: {  	_ =	swait.ge @!p1 [sflag:s4], $0x3000  }
0x4a: {  	[sflag:s4] =	ssyncset.done @!p1 $0x0  }
0x4b: {  	s26 =	sadd.s32 $0x6, s26;
	[sflag:s4] =	ssyncadd.s32 @!p1 $0xFFFFD000;
	s4 =	simm.s32 @!p1 $0x60  }
0x4c: {  	[tilespmem:s1], [sflag:$0xC] =	stream.indirect.gather.add.f32 @!p1 [hbm:s0], $0x80, s28, s4, $0xb8;
	[tilespmem:$0x1F340] =	vst v63  }
0x4d: {  	p1 =	sne.s32 s26, $0x48  }
.Ltmp3:
0x4e: {  	_ = 	snop;
	(pc) =	sbr.rel @!p1 .LBB2_8-.Ltmp3, $2  }
0x4f: {  	_ =	sdelay $0x2  }
0x50: {  	s29 =	sadd.s32 $0x1, s29;
	s28 =	sadd.s32 $0x258, s28  }
.LBB2_2:
0x51: {  	s31 =	sadd.s32 $0x2, s26  }
0x52: {  	p2 =	sgt.u32 s31, $0x3F  }
0x53: {  	p1 =	slt.u32 @!p2 s29, $0x2  }
0x54: {  	p1 =	por p1, p2  }
0x55: {  	s1 =	simm.s32 @!p1 $0x12  }
0x56: {  	_ =	swait.ge @!p1 [sflag:s1], $0x600  }
0x57: {  	[sflag:s1] =	ssyncset.done @!p1 $0x0  }
0x58: {  	[sflag:s1] =	ssyncadd.s32 @!p1 $0xFFFFFA00;
	s1 =	simm.s32 @!p2 $0x9  }
0x59: {  	_ =	swait.ge @!p2 [sflag:s1], $0x3400  }
0x5a: {  	[sflag:s1] =	ssyncset.done @!p2 $0x0  }
0x5b: {  	p1 =	sgt.u32 s26, $0x3F;
	[sflag:s1] =	ssyncadd.s32 @!p2 $0xFFFFCC00;
	s1 =	simm.s32 @!p2 $0x8100  }
0x5c: {  	[spmem:s12] =	stream.linear.scatter @!p2 [tilespmem:s1], [sflag:$0xF], $0x3400, $0x38;
	[tilespmem:$0x1F340] =	vst v63  }
0x5d: {  	s1 =	sshrl.u32 @!p1 s26, $0x1  }
0x5e: {  	s4 =	simm.s32 @!p1 $0xD;
	s1 =	smul.u32 @!p1 $0xC8, s1  }
0x5f: {  	_ =	swait.ge @!p1 [sflag:s4], $0x3400  }
0x60: {  	[sflag:s4] =	ssyncset.done @!p1 $0x0;
	s1 =	sadd.s32 @!p1 s7, s1  }
0x61: {  	[sflag:s4] =	ssyncadd.s32 @!p1 $0xFFFFCC00;
	s4 =	sshll.u32 @!p1 s3, $0x6;
	s1 =	sshll.u32 @!p1 s1, $0x4  }
0x62: {  	s6 =	sshrl.u32 @!p1 s11, $0x3;
	s4 =	sor.u32 @!p1 $0x1C10, s4;
	s1 =	sadd.s32 @!p1 s2, s1  }
0x63: {  	[hbm:s1], [sflag:s4] =	dma.local @!p1 [spmem:s6], $0x680  }
0x64: {  	p1 =	sgt.u32 s29, $0xA  }
0x65: {  	s4 =	sadd.s32 $0x3, s26;
	s30 =	simm.s32 @!p1 $0x1900;
	s1 =	simm.s32 @!p1 $0x1  }
0x66: {  	[tilespmem:s30], [sflag:$0x1] =	stream.linear.gather @!p1 [spmem:s5], $0x3400, $0x38;
	[tilespmem:$0x1F340] =	vst v63  }
0x67: {  	p3 =	sgt.u32 s4, $0x3F;
	_ =	swait.ge @!p1 [sflag:s1], $0x3400  }
0x68: {  	s6 =	simm.s32 @!p1 $0x68;
	p4 =	seq.s32 @!p3 s26, $0xFFFFFFFA;
	[sflag:s1] =	ssyncset.done @!p1 $0x0  }
0x69: {  	p4 =	por p4, p3;
	[sflag:s1] =	ssyncadd.s32 @!p1 $0xFFFFCC00;
	s1 =	sadd.s32 @!p1 $0xFFFFFE08, s28  }
0x6a: {  	[tilespmem:s30], [sflag:$0x7] =	stream.indirect.gather.add.f32 @!p1 [hbm:s0], $0x80, s1, s6, $0xb8;
	[tilespmem:$0x1F340] =	vst v63  }
0x6b: {  	s1 =	simm.s32 @!p4 $0x10  }
0x6c: {  	_ =	swait.ge @!p4 [sflag:s1], $0x680  }
0x6d: {  	[sflag:s1] =	ssyncset.done @!p4 $0x0  }
0x6e: {  	[sflag:s1] =	ssyncadd.s32 @!p4 $0xFFFFF980;
	s1 =	simm.s32 @!p3 $0xA  }
0x6f: {  	_ =	swait.ge @!p3 [sflag:s1], $0x3000  }
0x70: {  	[sflag:s1] =	ssyncset.done @!p3 $0x0  }
0x71: {  	[sflag:s1] =	ssyncadd.s32 @!p3 $0xFFFFD000;
	s1 =	simm.s32 @!p3 $0xB500  }
0x72: {  	[spmem:s11] =	stream.linear.scatter @!p3 [tilespmem:s1], [sflag:$0xD], $0x3000, $0x38;
	[tilespmem:$0x1F340] =	vst v63  }
0x73: {  	s1 =	sadd.s32 $0x1, s26  }
0x74: {  	p4 =	sgt.u32 s1, $0x3F  }
0x75: {  	s1 =	sshrl.u32 @!p4 s1, $0x1  }
0x76: {  	s8 =	simm.s32 @!p4 $0xE;
	s1 =	smul.u32 @!p4 $0xC8, s1  }
0x77: {  	_ =	swait.ge @!p4 [sflag:s8], $0x3000  }
0x78: {  	[sflag:s8] =	ssyncset.done @!p4 $0x0;
	s1 =	sadd.s32 @!p4 s1, s13  }
0x79: {  	[sflag:s8] =	ssyncadd.s32 @!p4 $0xFFFFD000;
	s8 =	sshll.u32 @!p4 s3, $0x6;
	s1 =	sshll.u32 @!p4 s1, $0x4  }
0x7a: {  	s9 =	sshrl.u32 @!p4 s14, $0x3;
	s8 =	sor.u32 @!p4 $0x1C11, s8;
	s1 =	sadd.s32 @!p4 s2, s1  }
0x7b: {  	[hbm:s1], [sflag:s8] =	dma.local @!p4 [spmem:s9], $0x600  }
0x7c: {  	s1 =	simm.s32 @!p1 $0x4D00;
	s8 =	simm.s32 @!p1 $0x2  }
0x7d: {  	[tilespmem:s1], [sflag:$0x2] =	stream.linear.gather @!p1 [spmem:s10], $0x3000, $0x38;
	[tilespmem:$0x1F340] =	vst v63  }
0x7e: {  	_ =	swait.ge @!p1 [sflag:s8], $0x3000  }
0x7f: {  	[sflag:s8] =	ssyncset.done @!p1 $0x0  }
0x80: {  	s9 =	sadd.s32 @!p1 $0xFFFFFE70, s28;
	[sflag:s8] =	ssyncadd.s32 @!p1 $0xFFFFD000;
	s8 =	simm.s32 @!p1 $0x60  }
0x81: {  	[tilespmem:s1], [sflag:$0x8] =	stream.indirect.gather.add.f32 @!p1 [hbm:s0], $0x80, s9, s8, $0xb8;
	[tilespmem:$0x1F340] =	vst v63  }
0x82: {  	s1 =	sadd.s32 $0x4, s26  }
0x83: {  	p4 =	sgt.u32 s1, $0x3F  }
0x84: {  	p5 =	seq.s32 @!p4 s26, $0xFFFFFFFA  }
0x85: {  	p5 =	por p5, p4  }
0x86: {  	s9 =	simm.s32 @!p5 $0x11  }
0x87: {  	_ =	swait.ge @!p5 [sflag:s9], $0x600  }
0x88: {  	[sflag:s9] =	ssyncset.done @!p5 $0x0  }
0x89: {  	[sflag:s9] =	ssyncadd.s32 @!p5 $0xFFFFFA00;
	s9 =	simm.s32 @!p4 $0xB  }
0x8a: {  	_ =	swait.ge @!p4 [sflag:s9], $0x3400  }
0x8b: {  	[sflag:s9] =	ssyncset.done @!p4 $0x0  }
0x8c: {  	[sflag:s9] =	ssyncadd.s32 @!p4 $0xFFFFCC00;
	s9 =	simm.s32 @!p4 $0xE900  }
0x8d: {  	[spmem:s14] =	stream.linear.scatter @!p4 [tilespmem:s9], [sflag:$0xE], $0x3400, $0x38;
	[tilespmem:$0x1F340] =	vst v63  }
0x8e: {  	s9 =	sshrl.u32 @!p2 s31, $0x1  }
0x8f: {  	s31 =	simm.s32 @!p2 $0xF;
	s9 =	smul.u32 @!p2 $0xC8, s9  }
0x90: {  	_ =	swait.ge @!p2 [sflag:s31], $0x3400  }
0x91: {  	[sflag:s31] =	ssyncset.done @!p2 $0x0;
	s9 =	sadd.s32 @!p2 s7, s9  }
0x92: {  	[sflag:s31] =	ssyncadd.s32 @!p2 $0xFFFFCC00;
	s31 =	sshll.u32 @!p2 s3, $0x6;
	s9 =	sshll.u32 @!p2 s9, $0x4  }
0x93: {  	s15 =	sshrl.u32 @!p2 s12, $0x3;
	s31 =	sor.u32 @!p2 $0x1C12, s31;
	s9 =	sadd.s32 @!p2 s2, s9  }
0x94: {  	[hbm:s9], [sflag:s31] =	dma.local @!p2 [spmem:s15], $0x680  }
0x95: {  	s9 =	simm.s32 @!p1 $0x8100;
	s15 =	simm.s32 @!p1 $0x3;
	s31 =	sadd.s32 $0x5, s26  }
0x96: {  	[tilespmem:s9], [sflag:$0x3] =	stream.linear.gather @!p1 [spmem:s5], $0x3400, $0x38;
	[tilespmem:$0x1F340] =	vst v63  }
0x97: {  	p2 =	sgt.u32 s31, $0x3F;
	_ =	swait.ge @!p1 [sflag:s15], $0x3400  }
0x98: {  	p5 =	seq.s32 @!p2 s26, $0xFFFFFFFA;
	[sflag:s15] =	ssyncset.done @!p1 $0x0  }
0x99: {  	p5 =	por p5, p2;
	[sflag:s15] =	ssyncadd.s32 @!p1 $0xFFFFCC00;
	s15 =	sadd.s32 @!p1 $0xFFFFFED0, s28  }
0x9a: {  	[tilespmem:s9], [sflag:$0x9] =	stream.indirect.gather.add.f32 @!p1 [hbm:s0], $0x80, s15, s6, $0xb8;
	[tilespmem:$0x1F340] =	vst v63  }
0x9b: {  	s6 =	simm.s32 @!p5 $0x12  }
0x9c: {  	_ =	swait.ge @!p5 [sflag:s6], $0x680  }
0x9d: {  	[sflag:s6] =	ssyncset.done @!p5 $0x0  }
0x9e: {  	[sflag:s6] =	ssyncadd.s32 @!p5 $0xFFFFF980;
	s6 =	simm.s32 @!p2 $0xC  }
0x9f: {  	_ =	swait.ge @!p2 [sflag:s6], $0x3000  }
0xa0: {  	[sflag:s6] =	ssyncset.done @!p2 $0x0  }
0xa1: {  	s4 =	sshrl.u32 @!p3 s4, $0x1;
	[sflag:s6] =	ssyncadd.s32 @!p2 $0xFFFFD000;
	s6 =	simm.s32 @!p2 $0x11D00  }
0xa2: {  	[spmem:s12] =	stream.linear.scatter @!p2 [tilespmem:s6], [sflag:$0xF], $0x3000, $0x38;
	[tilespmem:$0x1F340] =	vst v63  }
0xa3: {  	s4 =	smul.u32 @!p3 $0xC8, s4;
	s6 =	simm.s32 @!p3 $0xD  }
0xa4: {  	_ =	swait.ge @!p3 [sflag:s6], $0x3000  }
0xa5: {  	s4 =	sadd.s32 @!p3 s4, s13;
	[sflag:s6] =	ssyncset.done @!p3 $0x0  }
0xa6: {  	s4 =	sshll.u32 @!p3 s4, $0x4;
	[sflag:s6] =	ssyncadd.s32 @!p3 $0xFFFFD000;
	s6 =	sshll.u32 @!p3 s3, $0x6  }
0xa7: {  	s4 =	sadd.s32 @!p3 s2, s4;
	s9 =	sshrl.u32 @!p3 s11, $0x3;
	s6 =	sor.u32 @!p3 $0x1C10, s6  }
0xa8: {  	[hbm:s4], [sflag:s6] =	dma.local @!p3 [spmem:s9], $0x600  }
0xa9: {  	s4 =	simm.s32 @!p1 $0xB500;
	s6 =	simm.s32 @!p1 $0x4  }
0xaa: {  	[tilespmem:s4], [sflag:$0x4] =	stream.linear.gather @!p1 [spmem:s10], $0x3000, $0x38;
	[tilespmem:$0x1F340] =	vst v63  }
0xab: {  	_ =	swait.ge @!p1 [sflag:s6], $0x3000  }
0xac: {  	p3 =	seq.s32 @!p1 s26, $0xFFFFFFFA;
	[sflag:s6] =	ssyncset.done @!p1 $0x0  }
0xad: {  	p3 =	por p3, p1;
	[sflag:s6] =	ssyncadd.s32 @!p1 $0xFFFFD000;
	s6 =	sadd.s32 @!p1 $0xFFFFFF38, s28  }
0xae: {  	[tilespmem:s4], [sflag:$0xA] =	stream.indirect.gather.add.f32 @!p1 [hbm:s0], $0x80, s6, s8, $0xb8;
	[tilespmem:$0x1F340] =	vst v63  }
0xaf: {  	s4 =	simm.s32 @!p3 $0x10  }
0xb0: {  	_ =	swait.ge @!p3 [sflag:s4], $0x600  }
0xb1: {  	[sflag:s4] =	ssyncset.done @!p3 $0x0  }
0xb2: {  	[sflag:s4] =	ssyncadd.s32 @!p3 $0xFFFFFA00;
	s4 =	simm.s32 @!p1 $0x7  }
0xb3: {  	_ =	swait.ge @!p1 [sflag:s4], $0x3400  }
0xb4: {  	[sflag:s4] =	ssyncset.done @!p1 $0x0  }
0xb5: {  	s1 =	sshrl.u32 @!p4 s1, $0x1;
	[sflag:s4] =	ssyncadd.s32 @!p1 $0xFFFFCC00  }
0xb6: {  	[spmem:s11] =	stream.linear.scatter @!p1 [tilespmem:s30], [sflag:$0xD], $0x3400, $0x38;
	[tilespmem:$0x1F340] =	vst v63  }
0xb7: {  	s1 =	smul.u32 @!p4 $0xC8, s1;
	s4 =	simm.s32 @!p4 $0xE;
	p1 =	slt.u32 s29, $0xA  }
.Ltmp4:
0xb8: {  	_ =	swait.ge @!p4 [sflag:s4], $0x3400;
	(pc) =	sbr.rel @!p1 .LBB2_3-.Ltmp4, $4  }
0xb9: {  	s1 =	sadd.s32 @!p4 s7, s1;
	[sflag:s4] =	ssyncset.done @!p4 $0x0  }
0xba: {  	s1 =	sshll.u32 @!p4 s1, $0x4;
	[sflag:s4] =	ssyncadd.s32 @!p4 $0xFFFFCC00;
	s4 =	sshll.u32 @!p4 s3, $0x6  }
0xbb: {  	s1 =	sadd.s32 @!p4 s2, s1;
	s6 =	sshrl.u32 @!p4 s14, $0x3;
	s4 =	sor.u32 @!p4 $0x1C11, s4  }
0xbc: {  	[hbm:s1], [sflag:s4] =	dma.local @!p4 [spmem:s6], $0x680  }
0xbd: {  	[tilespmem:s17], [sflag:$0x5] =	stream.linear.gather [spmem:s5], $0x3400, $0x38;
	[tilespmem:$0x1F340] =	vst v63  }
0xbe: {  	p1 =	seq.s32 s26, $0xFFFFFFFA  }
.Ltmp5:
0xbf: {  	_ = 	snop;
	(pc) =	sbr.rel @p1 .LBB2_6-.Ltmp5, $4  }
.Ltmp6:
0xc0: {  	_ =	swait.ge [sflag:s18], $0x3400;
	(pc) =	sbr.rel @!p1 .LBB2_5-.Ltmp6, $4  }
0xc1: {  	[sflag:s18] =	ssyncset.done $0x0  }
0xc2: {  	s1 =	sadd.s32 $0xFFFFFF98, s28;
	[sflag:s18] =	ssyncadd.s32 $0xFFFFCC00  }
0xc3: {  	[tilespmem:s17], [sflag:$0xB] =	stream.indirect.gather.add.f32 [hbm:s0], $0x80, s1, s19, $0xb8;
	[tilespmem:$0x1F340] =	vst v63  }
0xc4: {  	_ = 	snop  }
.LBB2_3:
0xc5: {  	p1 =	slt.u32 s29, $0xB  }
.Ltmp7:
0xc6: {  	_ = 	snop;
	(pc) =	sbr.rel @p1 .LBB2_5-.Ltmp7, $4  }
.Ltmp8:
0xc7: {  	_ = 	snop;
	(pc) =	sbr.rel @!p1 .LBB2_7-.Ltmp8, $4  }
0xc8: {  	_ = 	snop  }
0xc9: {  	_ = 	snop  }
0xca: {  	_ = 	snop  }
0xcb: {  	_ = 	snop  }
.LBB2_9:
0xcc: {  	_ =	sfence.sel $0x180000  }
0xcd: {  	[bflag:$0x0] =	sbarrier.arrive $0xFFFF  }
0xce: {  	_ =	strace $0x90000047  }
0xcf: {  	[bflag:$0x2] =	sbarrier.arrive $0xFFFF  }
0xd0: {  	s0 =	rddreg [dreg:$0x6]  }
0xd1: {  	s0 =	sadd.s32 @!p0 $0x100000, s0  }
0xd2: {  	[sflag:s0] =	ssyncadd.tile.s32 @!p0 $0x1;
	_ =	shalt  }
.Lfunc_end2:
_tile_overlayer_lowered:
.L_overlay_start_2:
0xd3: {  	(tag) =	ssettag $0x2  }
0xd4: {  	s0 =	rddreg [dreg:$0x0];
	s2 =	stileid.u32  }
0xd5: {  	s1 =	rddreg [dreg:$0x1];
	p0 =	sne.s32 s2, $0x0  }
0xd6: {  	s3 =	rddreg [dreg:$0x2];
	[bflag:$0x3] =	sbarrier.arrive $0xFFFF;
	s2 =	simm.s32 @!p0 $0x1C13  }
0xd7: {  	[timem:s3], [sflag:s2] =	dma.local @!p0 [hbm:s0], s1  }
0xd8: {  	s0 =	simm.s32 @!p0 $0x13  }
0xd9: {  	_ =	swait.ge @!p0 [sflag:s0], s1  }
0xda: {  	s1 =	ssub.s32 @!p0 $0x0, s1;
	[sflag:s0] =	ssyncset.done @!p0 $0x0  }
0xdb: {  	[sflag:s0] =	ssyncadd.s32 @!p0 s1  }
0xdc: {  	[bflag:$0x3] =	sbarrier.arrive $0xFFFF  }
0xdd: {  	_ =	shalt  }

</sc_bundles>
